<compile_context>
chip_gen: v7x
topology: tpu7x:2x2x1
jax: 0.10.2.dev20260603
libtpu: 0.0.44.dev20260713+nightly
codegen_flags: <defaults>
</compile_context>

<pallas_src>
import functools

import jax
import jax.numpy as jnp
from jax import lax
from jax.experimental import pallas as pl
from jax.experimental.pallas import tpu as pltpu
from jax.experimental.pallas import tpu_sc as plsc

_N = 10000
_E = 320000
_INDIM = 128
_OUTDIM = 32
_HEADS = 4

_NPAD = 10000
_XW = 144
_NC = 2
_NS = 16
_EPW = _E // (_NC * _NS)
_CH = 80
_NCHUNK = _EPW // _CH
_MP = 62
_LEFT = _NCHUNK - 2 * _MP
_ROWS_PER_SUB = _NPAD // _NS
_RB = 2000


def _prep_body(x_ref, n_ref, wc_ref, ac_ref, x_out_ref):
    hs = x_ref[...] * n_ref[...]
    z = jnp.dot(hs, wc_ref[...], preferred_element_type=jnp.float32)
    sb = jnp.dot(z, ac_ref[...], preferred_element_type=jnp.float32)
    zext = jnp.concatenate(
        [z,
         jnp.ones((_N, _HEADS), jnp.float32),
         jnp.zeros((_N, _XW - _INDIM - _HEADS), jnp.float32)],
        axis=1)
    x_out_ref[...] = zext * jnp.exp(sb)


def _prep(x, norm, wc, ac):
    return pl.pallas_call(
        _prep_body,
        out_shape=jax.ShapeDtypeStruct((_N, _XW), jnp.float32),
    )(x, norm, wc, ac)


def _sc_scatter(edge_r, xtab):
    mesh = plsc.VectorSubcoreMesh(core_axis_name="c", subcore_axis_name="s")

    @functools.partial(
        pl.kernel,
        out_type=[jax.ShapeDtypeStruct((_NPAD, _XW), jnp.float32),
                  jax.ShapeDtypeStruct((_NPAD, _XW), jnp.float32)],
        mesh=mesh,
        scratch_types=[
            pltpu.VMEM((_MP, _CH), jnp.int32),
            pltpu.VMEM((_MP, _CH), jnp.int32),
            pltpu.VMEM((_CH, _XW), jnp.float32),
            pltpu.VMEM((_CH, _XW), jnp.float32),
            pltpu.VMEM_SHARED((_NPAD, _XW), jnp.float32),
            pltpu.SemaphoreType.DMA,
            pltpu.SemaphoreType.DMA,
            pltpu.SemaphoreType.DMA,
            pltpu.SemaphoreType.DMA,
        ],
        compiler_params=pltpu.CompilerParams(use_tc_tiling_on_sc=False),
    )
    def sc_kernel(edge_hbm, x_hbm, out0_hbm, out1_hbm,
                  srcv, dstv, b0, b1, acc, g0, g1, s0, s1):
        c = lax.axis_index("c")
        s = lax.axis_index("s")
        bufs = (b0, b1)
        gsem = (g0, g1)
        ssem = (s0, s1)
        my0 = s * _ROWS_PER_SUB

        def g_start(j, k):
            pltpu.async_copy(x_hbm.at[srcv.at[j]], bufs[k], gsem[k])

        def g_wait(j, k):
            pltpu.make_async_copy(x_hbm.at[srcv.at[j]], bufs[k], gsem[k]).wait()

        def s_start(j, k):
            pltpu.async_copy(bufs[k], acc.at[dstv.at[j]], ssem[k], add=True)

        def s_wait(j, k):
            pltpu.make_async_copy(bufs[k], acc.at[dstv.at[j]], ssem[k]).wait()

        @pl.loop(0, _CH)
        def _(i):
            @pl.loop(0, _XW // 16)
            def _(kk):
                b0.at[i].at[pl.ds(kk * 16, 16)][...] = jnp.zeros((16,), jnp.float32)

        for r in range(7):
            pltpu.sync_copy(b0, acc.at[pl.ds(my0 + r * _CH, _CH)])
        pltpu.sync_copy(b0.at[pl.ds(0, 65)], acc.at[pl.ds(my0 + 560, 65)])

        plsc.subcore_barrier()

        @pl.loop(0, 2)
        def _(p):
            base = p * _MP
            pltpu.sync_copy(edge_hbm.at[0].at[c].at[s].at[pl.ds(base, _MP)], srcv)
            pltpu.sync_copy(edge_hbm.at[1].at[c].at[s].at[pl.ds(base, _MP)], dstv)

            g_start(0, 0)

            @pl.loop(0, _MP, step=2)
            def _(j):
                for o in range(2):
                    ch = j + o
                    ko = (o + 1) % 2

                    @pl.when(ch >= 1)
                    def _():
                        s_wait(ch - 1, ko)

                    @pl.when(ch + 1 < _MP)
                    def _():
                        g_start(ch + 1, ko)

                    g_wait(ch, o)
                    s_start(ch, o)

            s_wait(_MP - 1, (_MP - 1) % 2)

        pltpu.sync_copy(edge_hbm.at[0].at[c].at[s].at[pl.ds(2 * _MP, _LEFT)],
                        srcv.at[pl.ds(0, _LEFT)])
        pltpu.sync_copy(edge_hbm.at[1].at[c].at[s].at[pl.ds(2 * _MP, _LEFT)],
                        dstv.at[pl.ds(0, _LEFT)])

        @pl.loop(0, _LEFT)
        def _(jj):
            pltpu.sync_copy(x_hbm.at[srcv.at[jj]], b0)
            pltpu.sync_copy(b0, acc.at[dstv.at[jj]], add=True)

        plsc.subcore_barrier()

        @pl.when(c == 0)
        def _():
            pltpu.sync_copy(acc.at[pl.ds(my0, _ROWS_PER_SUB)],
                            out0_hbm.at[pl.ds(my0, _ROWS_PER_SUB)])

        @pl.when(c == 1)
        def _():
            pltpu.sync_copy(acc.at[pl.ds(my0, _ROWS_PER_SUB)],
                            out1_hbm.at[pl.ds(my0, _ROWS_PER_SUB)])

    return sc_kernel(edge_r, xtab)


def _fin_body(y0_ref, y1_ref, x_ref, n_ref, ps_ref, out_ref):
    yfull = y0_ref[...] + y1_ref[...]
    y = yfull[:, :_INDIM]
    dh = yfull[:, _INDIM:]
    d32 = jnp.dot(dh, ps_ref[...], preferred_element_type=jnp.float32)
    out_ref[...] = x_ref[...] + n_ref[...] * y / jnp.maximum(d32, 1e-16)


def _finalize(y0, y1, x, norm, psel):
    return pl.pallas_call(
        _fin_body,
        out_shape=jax.ShapeDtypeStruct((_N, _INDIM), jnp.float32),
    )(y0, y1, x, norm, psel)


def kernel(x, edge_index, e, norm, W, a):
    f32 = jnp.float32

    wc = jnp.transpose(W, (1, 0, 2)).reshape(_INDIM, _HEADS * _OUTDIM)
    a_src_flat = a[:, :_OUTDIM, 0].reshape(_HEADS * _OUTDIM)
    rows_i = jnp.arange(_INDIM)[:, None]
    cols_i = jnp.arange(_XW)[None, :]
    mask_main = (cols_i < _INDIM) & (rows_i // _OUTDIM == cols_i // _OUTDIM)
    mask_den = ((cols_i >= _INDIM) & (cols_i < _INDIM + _HEADS)
                & (rows_i // _OUTDIM == cols_i - _INDIM))
    ac = jnp.where(mask_main | mask_den, a_src_flat[:, None], 0.0).astype(f32)

    prow = jnp.arange(16)[:, None]
    pcol = jnp.arange(_INDIM)[None, :]
    psel = ((pcol // _OUTDIM == prow) & (prow < _HEADS)).astype(f32)

    edge_r = edge_index.reshape(2, _NC, _NS, _NCHUNK, _CH)

    xtab = _prep(x, norm, wc, ac)
    y0, y1 = _sc_scatter(edge_r, xtab)
    out = _finalize(y0, y1, x, norm, psel)
    return (out, e)

# --- scband reference (transcript-rebuilt; emitter-appended) ---
"""Pipeline reference for scband-simple-gatlayer-83476984365539 (READ-ONLY COPY).

The authoritative reference and input builder live on the scoring server;
editing this copy changes nothing except your own understanding.
"""

import jax, jax.numpy as jnp
import numpy as np

N = 10000
E = 320000
INDIM = 128
OUTDIM = 32
HEADS = 4
DEDGE = 16


def setup_inputs(seed: int = 0) -> dict:
    key = jax.random.key(seed)
    ks = jax.random.split(key, 6)
    x = jax.random.normal(ks[0], (N, INDIM), dtype=jnp.float32)
    edge_index = jax.random.randint(ks[1], (2, E), 0, N, dtype=jnp.int32)
    e = jax.random.normal(ks[2], (E, DEDGE), dtype=jnp.float32)
    norm = jax.random.uniform(ks[3], (N, 1), dtype=jnp.float32)
    # Per-head linear weights: MultiLinearLayer with num_layers=1 and bias=False
    # reduces to a single dense projection indim -> outdim.
    W = jax.random.normal(ks[4], (HEADS, INDIM, OUTDIM), dtype=jnp.float32) * 0.05
    # Per-head attention projection: LinearLayer(2*outdim, 1, bias=False).
    a = jax.random.normal(ks[5], (HEADS, 2 * OUTDIM, 1), dtype=jnp.float32) * 0.05
    return {"x": x, "edge_index": edge_index, "e": e, "norm": norm, "W": W, "a": a}


def reference(x, edge_index, e, norm, W, a):
    src = edge_index[0]
    dst = edge_index[1]
    h_in = x
    hs = x * norm  # h = h * norm
    head_outs = []
    for i in range(HEADS):
        z = hs @ W[i]  # [N, OUTDIM]
        # edge_attention: a(cat(z_src, z_dst))
        z2 = jnp.concatenate([z[src], z[dst]], axis=1)  # [E, 2*OUTDIM]
        logits = (z2 @ a[i])[:, 0]  # [E]
        # reduce_func: softmax over incoming edges (grouped by dst), then weighted sum
        m = jax.ops.segment_max(logits, dst, num_segments=N)
        m = jnp.where(jnp.isfinite(m), m, 0.0)
        num = jnp.exp(logits - m[dst])
        den = jax.ops.segment_sum(num, dst, num_segments=N)
        alpha = num / jnp.maximum(den[dst], 1e-16)
        h = jax.ops.segment_sum(alpha[:, None] * z[src], dst, num_segments=N)
        # dropout=0.0 and batch_norm=False -> identity
        head_outs.append(h * norm)
    h = jnp.concatenate(head_outs, axis=1)  # merge_type == 'cat'
    # residual: indim == outdim * num_heads -> True
    h = h_in + h
    return (h, e)

if __name__ == "__main__":
    import jax
    _d = setup_inputs()
    print(jax.jit(kernel)(*tuple(_d.values())))

</pallas_src>

<mosaic_0001>
#map = affine_map<(d0, d1) -> (0, 0, 0, 0, 0)>
#map1 = affine_map<(d0, d1) -> (0, 0)>
module attributes {stable_mosaic.version = 14 : i64} {
  func.func @sc_kernel(%arg0: i32, %arg1: i32, %arg2: memref<2x2x16x125x80xi32, #tpu.memory_space<hbm>>, %arg3: memref<10000x144xf32, #tpu.memory_space<hbm>>, %arg4: memref<10000x144xf32, #tpu.memory_space<hbm>>, %arg5: memref<10000x144xf32, #tpu.memory_space<hbm>>, %arg6: memref<62x80xi32, #tpu.memory_space<vmem>>, %arg7: memref<62x80xi32, #tpu.memory_space<vmem>>, %arg8: memref<80x144xf32, #tpu.memory_space<vmem>>, %arg9: memref<80x144xf32, #tpu.memory_space<vmem>>, %arg10: memref<10000x144xf32, #tpu.memory_space<vmem_shared>>, %arg11: memref<!tpu.dma_semaphore, #tpu.memory_space<semaphore_mem>>, %arg12: memref<!tpu.dma_semaphore, #tpu.memory_space<semaphore_mem>>, %arg13: memref<!tpu.dma_semaphore, #tpu.memory_space<semaphore_mem>>, %arg14: memref<!tpu.dma_semaphore, #tpu.memory_space<semaphore_mem>>) attributes {dimension_semantics = [#tpu.dimension_semantics<core_parallel>, #tpu.dimension_semantics<subcore_parallel>], iteration_bounds = array<i64: 2, 16>, scalar_prefetch = 0 : i64, scratch_operands = 9 : i64, tpu.core_type = #tpu.core_type<sc_vector_subcore>, window_params = [{transform_indices = #map}, {transform_indices = #map1}, {transform_indices = #map1}, {transform_indices = #map1}]} {
    %mul3A = arith.constant 625 : i32
    %mul3A_0 = arith.muli %arg1, %mul3A : i32
    %scan3A = arith.constant 0 : i32
    %scan3A_1 = arith.constant 80 : i32
    %scan3A_2 = arith.addi %scan3A, %scan3A_1 : i32
    %scan3A_3 = arith.constant 1 : i32
    scf.for %scan3A_40 = %scan3A to %scan3A_2 step %scan3A_3  : i32 {
      %mul3A_41 = arith.constant 1 : i32
      %mul3A_42 = arith.muli %scan3A_40, %mul3A_41 : i32
      %add3A_43 = arith.constant 0 : i32
      %add3A_44 = arith.addi %add3A_43, %mul3A_42 : i32
      %scan3A_45 = arith.constant 0 : i32
      %scan3A_46 = arith.constant 9 : i32
      %scan3A_47 = arith.addi %scan3A_45, %scan3A_46 : i32
      %scan3A_48 = arith.constant 1 : i32
      scf.for %scan3A_50 = %scan3A_45 to %scan3A_47 step %scan3A_48  : i32 {
        %mul3A_51 = arith.constant 1 : i32
        %mul3A_52 = arith.muli %scan3A_50, %mul3A_51 : i32
        %add3A_53 = arith.constant 0 : i32
        %add3A_54 = arith.addi %add3A_53, %mul3A_52 : i32
        %broadcast_in_dim3A = arith.constant 0.000000e+00 : f32
        %broadcast_in_dim3A_55 = vector.broadcast %broadcast_in_dim3A : f32 to vector<16xf32>
        %mul3A_56 = arith.constant 16 : i32
        %mul3A_57 = arith.muli %add3A_54, %mul3A_56 : i32
        %swap3A = arith.constant 0 : i32
        %swap3A_58 = tpu.memref_slice %arg8[%add3A_44, %swap3A] : memref<80x144xf32, #tpu.memory_space<vmem>> -> memref<1x144xf32, #tpu.memory_space<vmem>>
        %swap3A_59 = tpu.memref_squeeze %swap3A_58 : memref<1x144xf32, #tpu.memory_space<vmem>> -> memref<144xf32, #tpu.memory_space<vmem>>
        %swap3A_60 = arith.index_cast %mul3A_57 : i32 to index
        %swap3A_61 = tpu.vector_load %swap3A_59[%swap3A_60] {strides = array<i32>} : memref<144xf32, #tpu.memory_space<vmem>>, vector<16xf32>,
        %swap3A_62 = vector.shape_cast %swap3A_61 : vector<16xf32> to vector<16xf32>
        %swap3A_63 = vector.shape_cast %broadcast_in_dim3A_55 : vector<16xf32> to vector<16xf32>
        tpu.vector_store %swap3A_59[%swap3A_60], %swap3A_63 {strides = array<i32>} : memref<144xf32, #tpu.memory_space<vmem>>, vector<16xf32>,
      }
      %scan3A_49 = arith.constant 9 : i32
    }
    %scan3A_4 = arith.constant 80 : i32
    %add3A = arith.constant 0 : i32
    %add3A_5 = arith.addi %mul3A_0, %add3A : i32
    "tpu.region"() ({
      %run_scoped3A_40 = tpu.sem_alloc : memref<!tpu.dma_semaphore, #tpu.memory_space<semaphore_mem>>
      %dma_start3A = arith.constant 0 : i32
      %dma_start3A_41 = tpu.memref_slice %arg10[%add3A_5, %dma_start3A] : memref<10000x144xf32, #tpu.memory_space<vmem_shared>> -> memref<80x144xf32, #tpu.memory_space<vmem_shared>>
      %dma_start3A_42 = arith.constant 0 : i32
      %dma_start3A_43 = tpu.memref_slice %arg10[%add3A_5, %dma_start3A_42] : memref<10000x144xf32, #tpu.memory_space<vmem_shared>> -> memref<80x144xf32, #tpu.memory_space<vmem_shared>>
      tpu.enqueue_dma source(%arg8 : memref<80x144xf32, #tpu.memory_space<vmem>>) target(%dma_start3A_43 : memref<80x144xf32, #tpu.memory_space<vmem_shared>>) target_semaphore(%run_scoped3A_40 : memref<!tpu.dma_semaphore, #tpu.memory_space<semaphore_mem>>)
      %dma_wait3A = arith.constant 0 : i32
      %dma_wait3A_44 = tpu.memref_slice %arg10[%add3A_5, %dma_wait3A] : memref<10000x144xf32, #tpu.memory_space<vmem_shared>> -> memref<80x144xf32, #tpu.memory_space<vmem_shared>>
      %dma_wait3A_45 = arith.constant 0 : i32
      %dma_wait3A_46 = tpu.memref_slice %arg10[%add3A_5, %dma_wait3A_45] : memref<10000x144xf32, #tpu.memory_space<vmem_shared>> -> memref<80x144xf32, #tpu.memory_space<vmem_shared>>
      tpu.wait_dma2 semaphore(%run_scoped3A_40 : memref<!tpu.dma_semaphore, #tpu.memory_space<semaphore_mem>>) src(%arg8 : memref<80x144xf32, #tpu.memory_space<vmem>>) dst(%dma_wait3A_46 : memref<80x144xf32, #tpu.memory_space<vmem_shared>>)
      tpu.yield
    }) : () -> ()
    %add3A_6 = arith.constant 80 : i32
    %add3A_7 = arith.addi %mul3A_0, %add3A_6 : i32
    "tpu.region"() ({
      %run_scoped3A_40 = tpu.sem_alloc : memref<!tpu.dma_semaphore, #tpu.memory_space<semaphore_mem>>
      %dma_start3A = arith.constant 0 : i32
      %dma_start3A_41 = tpu.memref_slice %arg10[%add3A_7, %dma_start3A] : memref<10000x144xf32, #tpu.memory_space<vmem_shared>> -> memref<80x144xf32, #tpu.memory_space<vmem_shared>>
      %dma_start3A_42 = arith.constant 0 : i32
      %dma_start3A_43 = tpu.memref_slice %arg10[%add3A_7, %dma_start3A_42] : memref<10000x144xf32, #tpu.memory_space<vmem_shared>> -> memref<80x144xf32, #tpu.memory_space<vmem_shared>>
      tpu.enqueue_dma source(%arg8 : memref<80x144xf32, #tpu.memory_space<vmem>>) target(%dma_start3A_43 : memref<80x144xf32, #tpu.memory_space<vmem_shared>>) target_semaphore(%run_scoped3A_40 : memref<!tpu.dma_semaphore, #tpu.memory_space<semaphore_mem>>)
      %dma_wait3A = arith.constant 0 : i32
      %dma_wait3A_44 = tpu.memref_slice %arg10[%add3A_7, %dma_wait3A] : memref<10000x144xf32, #tpu.memory_space<vmem_shared>> -> memref<80x144xf32, #tpu.memory_space<vmem_shared>>
      %dma_wait3A_45 = arith.constant 0 : i32
      %dma_wait3A_46 = tpu.memref_slice %arg10[%add3A_7, %dma_wait3A_45] : memref<10000x144xf32, #tpu.memory_space<vmem_shared>> -> memref<80x144xf32, #tpu.memory_space<vmem_shared>>
      tpu.wait_dma2 semaphore(%run_scoped3A_40 : memref<!tpu.dma_semaphore, #tpu.memory_space<semaphore_mem>>) src(%arg8 : memref<80x144xf32, #tpu.memory_space<vmem>>) dst(%dma_wait3A_46 : memref<80x144xf32, #tpu.memory_space<vmem_shared>>)
      tpu.yield
    }) : () -> ()
    %add3A_8 = arith.constant 160 : i32
    %add3A_9 = arith.addi %mul3A_0, %add3A_8 : i32
    "tpu.region"() ({
      %run_scoped3A_40 = tpu.sem_alloc : memref<!tpu.dma_semaphore, #tpu.memory_space<semaphore_mem>>
      %dma_start3A = arith.constant 0 : i32
      %dma_start3A_41 = tpu.memref_slice %arg10[%add3A_9, %dma_start3A] : memref<10000x144xf32, #tpu.memory_space<vmem_shared>> -> memref<80x144xf32, #tpu.memory_space<vmem_shared>>
      %dma_start3A_42 = arith.constant 0 : i32
      %dma_start3A_43 = tpu.memref_slice %arg10[%add3A_9, %dma_start3A_42] : memref<10000x144xf32, #tpu.memory_space<vmem_shared>> -> memref<80x144xf32, #tpu.memory_space<vmem_shared>>
      tpu.enqueue_dma source(%arg8 : memref<80x144xf32, #tpu.memory_space<vmem>>) target(%dma_start3A_43 : memref<80x144xf32, #tpu.memory_space<vmem_shared>>) target_semaphore(%run_scoped3A_40 : memref<!tpu.dma_semaphore, #tpu.memory_space<semaphore_mem>>)
      %dma_wait3A = arith.constant 0 : i32
      %dma_wait3A_44 = tpu.memref_slice %arg10[%add3A_9, %dma_wait3A] : memref<10000x144xf32, #tpu.memory_space<vmem_shared>> -> memref<80x144xf32, #tpu.memory_space<vmem_shared>>
      %dma_wait3A_45 = arith.constant 0 : i32
      %dma_wait3A_46 = tpu.memref_slice %arg10[%add3A_9, %dma_wait3A_45] : memref<10000x144xf32, #tpu.memory_space<vmem_shared>> -> memref<80x144xf32, #tpu.memory_space<vmem_shared>>
      tpu.wait_dma2 semaphore(%run_scoped3A_40 : memref<!tpu.dma_semaphore, #tpu.memory_space<semaphore_mem>>) src(%arg8 : memref<80x144xf32, #tpu.memory_space<vmem>>) dst(%dma_wait3A_46 : memref<80x144xf32, #tpu.memory_space<vmem_shared>>)
      tpu.yield
    }) : () -> ()
    %add3A_10 = arith.constant 240 : i32
    %add3A_11 = arith.addi %mul3A_0, %add3A_10 : i32
    "tpu.region"() ({
      %run_scoped3A_40 = tpu.sem_alloc : memref<!tpu.dma_semaphore, #tpu.memory_space<semaphore_mem>>
      %dma_start3A = arith.constant 0 : i32
      %dma_start3A_41 = tpu.memref_slice %arg10[%add3A_11, %dma_start3A] : memref<10000x144xf32, #tpu.memory_space<vmem_shared>> -> memref<80x144xf32, #tpu.memory_space<vmem_shared>>
      %dma_start3A_42 = arith.constant 0 : i32
      %dma_start3A_43 = tpu.memref_slice %arg10[%add3A_11, %dma_start3A_42] : memref<10000x144xf32, #tpu.memory_space<vmem_shared>> -> memref<80x144xf32, #tpu.memory_space<vmem_shared>>
      tpu.enqueue_dma source(%arg8 : memref<80x144xf32, #tpu.memory_space<vmem>>) target(%dma_start3A_43 : memref<80x144xf32, #tpu.memory_space<vmem_shared>>) target_semaphore(%run_scoped3A_40 : memref<!tpu.dma_semaphore, #tpu.memory_space<semaphore_mem>>)
      %dma_wait3A = arith.constant 0 : i32
      %dma_wait3A_44 = tpu.memref_slice %arg10[%add3A_11, %dma_wait3A] : memref<10000x144xf32, #tpu.memory_space<vmem_shared>> -> memref<80x144xf32, #tpu.memory_space<vmem_shared>>
      %dma_wait3A_45 = arith.constant 0 : i32
      %dma_wait3A_46 = tpu.memref_slice %arg10[%add3A_11, %dma_wait3A_45] : memref<10000x144xf32, #tpu.memory_space<vmem_shared>> -> memref<80x144xf32, #tpu.memory_space<vmem_shared>>
      tpu.wait_dma2 semaphore(%run_scoped3A_40 : memref<!tpu.dma_semaphore, #tpu.memory_space<semaphore_mem>>) src(%arg8 : memref<80x144xf32, #tpu.memory_space<vmem>>) dst(%dma_wait3A_46 : memref<80x144xf32, #tpu.memory_space<vmem_shared>>)
      tpu.yield
    }) : () -> ()
    %add3A_12 = arith.constant 320 : i32
    %add3A_13 = arith.addi %mul3A_0, %add3A_12 : i32
    "tpu.region"() ({
      %run_scoped3A_40 = tpu.sem_alloc : memref<!tpu.dma_semaphore, #tpu.memory_space<semaphore_mem>>
      %dma_start3A = arith.constant 0 : i32
      %dma_start3A_41 = tpu.memref_slice %arg10[%add3A_13, %dma_start3A] : memref<10000x144xf32, #tpu.memory_space<vmem_shared>> -> memref<80x144xf32, #tpu.memory_space<vmem_shared>>
      %dma_start3A_42 = arith.constant 0 : i32
      %dma_start3A_43 = tpu.memref_slice %arg10[%add3A_13, %dma_start3A_42] : memref<10000x144xf32, #tpu.memory_space<vmem_shared>> -> memref<80x144xf32, #tpu.memory_space<vmem_shared>>
      tpu.enqueue_dma source(%arg8 : memref<80x144xf32, #tpu.memory_space<vmem>>) target(%dma_start3A_43 : memref<80x144xf32, #tpu.memory_space<vmem_shared>>) target_semaphore(%run_scoped3A_40 : memref<!tpu.dma_semaphore, #tpu.memory_space<semaphore_mem>>)
      %dma_wait3A = arith.constant 0 : i32
      %dma_wait3A_44 = tpu.memref_slice %arg10[%add3A_13, %dma_wait3A] : memref<10000x144xf32, #tpu.memory_space<vmem_shared>> -> memref<80x144xf32, #tpu.memory_space<vmem_shared>>
      %dma_wait3A_45 = arith.constant 0 : i32
      %dma_wait3A_46 = tpu.memref_slice %arg10[%add3A_13, %dma_wait3A_45] : memref<10000x144xf32, #tpu.memory_space<vmem_shared>> -> memref<80x144xf32, #tpu.memory_space<vmem_shared>>
      tpu.wait_dma2 semaphore(%run_scoped3A_40 : memref<!tpu.dma_semaphore, #tpu.memory_space<semaphore_mem>>) src(%arg8 : memref<80x144xf32, #tpu.memory_space<vmem>>) dst(%dma_wait3A_46 : memref<80x144xf32, #tpu.memory_space<vmem_shared>>)
      tpu.yield
    }) : () -> ()
    %add3A_14 = arith.constant 400 : i32
    %add3A_15 = arith.addi %mul3A_0, %add3A_14 : i32
    "tpu.region"() ({
      %run_scoped3A_40 = tpu.sem_alloc : memref<!tpu.dma_semaphore, #tpu.memory_space<semaphore_mem>>
      %dma_start3A = arith.constant 0 : i32
      %dma_start3A_41 = tpu.memref_slice %arg10[%add3A_15, %dma_start3A] : memref<10000x144xf32, #tpu.memory_space<vmem_shared>> -> memref<80x144xf32, #tpu.memory_space<vmem_shared>>
      %dma_start3A_42 = arith.constant 0 : i32
      %dma_start3A_43 = tpu.memref_slice %arg10[%add3A_15, %dma_start3A_42] : memref<10000x144xf32, #tpu.memory_space<vmem_shared>> -> memref<80x144xf32, #tpu.memory_space<vmem_shared>>
      tpu.enqueue_dma source(%arg8 : memref<80x144xf32, #tpu.memory_space<vmem>>) target(%dma_start3A_43 : memref<80x144xf32, #tpu.memory_space<vmem_shared>>) target_semaphore(%run_scoped3A_40 : memref<!tpu.dma_semaphore, #tpu.memory_space<semaphore_mem>>)
      %dma_wait3A = arith.constant 0 : i32
      %dma_wait3A_44 = tpu.memref_slice %arg10[%add3A_15, %dma_wait3A] : memref<10000x144xf32, #tpu.memory_space<vmem_shared>> -> memref<80x144xf32, #tpu.memory_space<vmem_shared>>
      %dma_wait3A_45 = arith.constant 0 : i32
      %dma_wait3A_46 = tpu.memref_slice %arg10[%add3A_15, %dma_wait3A_45] : memref<10000x144xf32, #tpu.memory_space<vmem_shared>> -> memref<80x144xf32, #tpu.memory_space<vmem_shared>>
      tpu.wait_dma2 semaphore(%run_scoped3A_40 : memref<!tpu.dma_semaphore, #tpu.memory_space<semaphore_mem>>) src(%arg8 : memref<80x144xf32, #tpu.memory_space<vmem>>) dst(%dma_wait3A_46 : memref<80x144xf32, #tpu.memory_space<vmem_shared>>)
      tpu.yield
    }) : () -> ()
    %add3A_16 = arith.constant 480 : i32
    %add3A_17 = arith.addi %mul3A_0, %add3A_16 : i32
    "tpu.region"() ({
      %run_scoped3A_40 = tpu.sem_alloc : memref<!tpu.dma_semaphore, #tpu.memory_space<semaphore_mem>>
      %dma_start3A = arith.constant 0 : i32
      %dma_start3A_41 = tpu.memref_slice %arg10[%add3A_17, %dma_start3A] : memref<10000x144xf32, #tpu.memory_space<vmem_shared>> -> memref<80x144xf32, #tpu.memory_space<vmem_shared>>
      %dma_start3A_42 = arith.constant 0 : i32
      %dma_start3A_43 = tpu.memref_slice %arg10[%add3A_17, %dma_start3A_42] : memref<10000x144xf32, #tpu.memory_space<vmem_shared>> -> memref<80x144xf32, #tpu.memory_space<vmem_shared>>
      tpu.enqueue_dma source(%arg8 : memref<80x144xf32, #tpu.memory_space<vmem>>) target(%dma_start3A_43 : memref<80x144xf32, #tpu.memory_space<vmem_shared>>) target_semaphore(%run_scoped3A_40 : memref<!tpu.dma_semaphore, #tpu.memory_space<semaphore_mem>>)
      %dma_wait3A = arith.constant 0 : i32
      %dma_wait3A_44 = tpu.memref_slice %arg10[%add3A_17, %dma_wait3A] : memref<10000x144xf32, #tpu.memory_space<vmem_shared>> -> memref<80x144xf32, #tpu.memory_space<vmem_shared>>
      %dma_wait3A_45 = arith.constant 0 : i32
      %dma_wait3A_46 = tpu.memref_slice %arg10[%add3A_17, %dma_wait3A_45] : memref<10000x144xf32, #tpu.memory_space<vmem_shared>> -> memref<80x144xf32, #tpu.memory_space<vmem_shared>>
      tpu.wait_dma2 semaphore(%run_scoped3A_40 : memref<!tpu.dma_semaphore, #tpu.memory_space<semaphore_mem>>) src(%arg8 : memref<80x144xf32, #tpu.memory_space<vmem>>) dst(%dma_wait3A_46 : memref<80x144xf32, #tpu.memory_space<vmem_shared>>)
      tpu.yield
    }) : () -> ()
    %add3A_18 = arith.constant 560 : i32
    %add3A_19 = arith.addi %mul3A_0, %add3A_18 : i32
    "tpu.region"() ({
      %run_scoped3A_40 = tpu.sem_alloc : memref<!tpu.dma_semaphore, #tpu.memory_space<semaphore_mem>>
      %dma_start3A = arith.constant 0 : i32
      %dma_start3A_41 = arith.constant 0 : i32
      %dma_start3A_42 = tpu.memref_slice %arg8[%dma_start3A, %dma_start3A_41] : memref<80x144xf32, #tpu.memory_space<vmem>> -> memref<65x144xf32, #tpu.memory_space<vmem>>
      %dma_start3A_43 = arith.constant 0 : i32
      %dma_start3A_44 = tpu.memref_slice %arg10[%add3A_19, %dma_start3A_43] : memref<10000x144xf32, #tpu.memory_space<vmem_shared>> -> memref<65x144xf32, #tpu.memory_space<vmem_shared>>
      %dma_start3A_45 = arith.constant 0 : i32
      %dma_start3A_46 = tpu.memref_slice %arg10[%add3A_19, %dma_start3A_45] : memref<10000x144xf32, #tpu.memory_space<vmem_shared>> -> memref<65x144xf32, #tpu.memory_space<vmem_shared>>
      %dma_start3A_47 = arith.constant 0 : i32
      %dma_start3A_48 = arith.constant 0 : i32
      %dma_start3A_49 = tpu.memref_slice %arg8[%dma_start3A_47, %dma_start3A_48] : memref<80x144xf32, #tpu.memory_space<vmem>> -> memref<65x144xf32, #tpu.memory_space<vmem>>
      tpu.enqueue_dma source(%dma_start3A_49 : memref<65x144xf32, #tpu.memory_space<vmem>>) target(%dma_start3A_46 : memref<65x144xf32, #tpu.memory_space<vmem_shared>>) target_semaphore(%run_scoped3A_40 : memref<!tpu.dma_semaphore, #tpu.memory_space<semaphore_mem>>)
      %dma_wait3A = arith.constant 0 : i32
      %dma_wait3A_50 = arith.constant 0 : i32
      %dma_wait3A_51 = tpu.memref_slice %arg8[%dma_wait3A, %dma_wait3A_50] : memref<80x144xf32, #tpu.memory_space<vmem>> -> memref<65x144xf32, #tpu.memory_space<vmem>>
      %dma_wait3A_52 = arith.constant 0 : i32
      %dma_wait3A_53 = tpu.memref_slice %arg10[%add3A_19, %dma_wait3A_52] : memref<10000x144xf32, #tpu.memory_space<vmem_shared>> -> memref<65x144xf32, #tpu.memory_space<vmem_shared>>
      %dma_wait3A_54 = arith.constant 0 : i32
      %dma_wait3A_55 = tpu.memref_slice %arg10[%add3A_19, %dma_wait3A_54] : memref<10000x144xf32, #tpu.memory_space<vmem_shared>> -> memref<65x144xf32, #tpu.memory_space<vmem_shared>>
      %dma_wait3A_56 = arith.constant 0 : i32
      %dma_wait3A_57 = arith.constant 0 : i32
      %dma_wait3A_58 = tpu.memref_slice %arg8[%dma_wait3A_56, %dma_wait3A_57] : memref<80x144xf32, #tpu.memory_space<vmem>> -> memref<65x144xf32, #tpu.memory_space<vmem>>
      tpu.wait_dma2 semaphore(%run_scoped3A_40 : memref<!tpu.dma_semaphore, #tpu.memory_space<semaphore_mem>>) src(%dma_wait3A_58 : memref<65x144xf32, #tpu.memory_space<vmem>>) dst(%dma_wait3A_55 : memref<65x144xf32, #tpu.memory_space<vmem_shared>>)
      tpu.yield
    }) : () -> ()
    %barrier3A = arith.constant 0 : index
    tpu.barrier barrier_id(%barrier3A)
    %scan3A_20 = arith.constant 0 : i32
    %scan3A_21 = arith.constant 2 : i32
    %scan3A_22 = arith.addi %scan3A_20, %scan3A_21 : i32
    %scan3A_23 = arith.constant 1 : i32
    scf.for %scan3A_40 = %scan3A_20 to %scan3A_22 step %scan3A_23  : i32 {
      %mul3A_41 = arith.constant 1 : i32
      %mul3A_42 = arith.muli %scan3A_40, %mul3A_41 : i32
      %add3A_43 = arith.constant 0 : i32
      %add3A_44 = arith.addi %add3A_43, %mul3A_42 : i32
      %mul3A_45 = arith.constant 62 : i32
      %mul3A_46 = arith.muli %add3A_44, %mul3A_45 : i32
      %run_scoped3A_47 = arith.constant 0 : i32
      "tpu.region"() ({
        %run_scoped3A_66 = tpu.sem_alloc : memref<!tpu.dma_semaphore, #tpu.memory_space<semaphore_mem>>
        %dma_start3A_67 = arith.constant 0 : i32
        %dma_start3A_68 = arith.constant 0 : i32
        %dma_start3A_69 = arith.constant 0 : i32
        %dma_start3A_70 = arith.constant 0 : i32
        %dma_start3A_71 = tpu.memref_slice %arg2[%run_scoped3A_47, %dma_start3A_67, %dma_start3A_68, %dma_start3A_69, %dma_start3A_70] : memref<2x2x16x125x80xi32, #tpu.memory_space<hbm>> -> memref<1x2x16x125x80xi32, #tpu.memory_space<hbm>>
        %dma_start3A_72 = tpu.memref_squeeze %dma_start3A_71 : memref<1x2x16x125x80xi32, #tpu.memory_space<hbm>> -> memref<2x16x125x80xi32, #tpu.memory_space<hbm>>
        %dma_start3A_73 = arith.constant 0 : i32
        %dma_start3A_74 = arith.constant 0 : i32
        %dma_start3A_75 = arith.constant 0 : i32
        %dma_start3A_76 = tpu.memref_slice %dma_start3A_72[%arg0, %dma_start3A_73, %dma_start3A_74, %dma_start3A_75] : memref<2x16x125x80xi32, #tpu.memory_space<hbm>> -> memref<1x16x125x80xi32, #tpu.memory_space<hbm>>
        %dma_start3A_77 = tpu.memref_squeeze %dma_start3A_76 : memref<1x16x125x80xi32, #tpu.memory_space<hbm>> -> memref<16x125x80xi32, #tpu.memory_space<hbm>>
        %dma_start3A_78 = arith.constant 0 : i32
        %dma_start3A_79 = arith.constant 0 : i32
        %dma_start3A_80 = tpu.memref_slice %dma_start3A_77[%arg1, %dma_start3A_78, %dma_start3A_79] : memref<16x125x80xi32, #tpu.memory_space<hbm>> -> memref<1x125x80xi32, #tpu.memory_space<hbm>>
        %dma_start3A_81 = tpu.memref_squeeze %dma_start3A_80 : memref<1x125x80xi32, #tpu.memory_space<hbm>> -> memref<125x80xi32, #tpu.memory_space<hbm>>
        %dma_start3A_82 = arith.constant 0 : i32
        %dma_start3A_83 = tpu.memref_slice %dma_start3A_81[%mul3A_46, %dma_start3A_82] : memref<125x80xi32, #tpu.memory_space<hbm>> -> memref<62x80xi32, #tpu.memory_space<hbm>>
        %dma_start3A_84 = arith.constant 0 : i32
        %dma_start3A_85 = arith.constant 0 : i32
        %dma_start3A_86 = arith.constant 0 : i32
        %dma_start3A_87 = arith.constant 0 : i32
        %dma_start3A_88 = tpu.memref_slice %arg2[%run_scoped3A_47, %dma_start3A_84, %dma_start3A_85, %dma_start3A_86, %dma_start3A_87] : memref<2x2x16x125x80xi32, #tpu.memory_space<hbm>> -> memref<1x2x16x125x80xi32, #tpu.memory_space<hbm>>
        %dma_start3A_89 = tpu.memref_squeeze %dma_start3A_88 : memref<1x2x16x125x80xi32, #tpu.memory_space<hbm>> -> memref<2x16x125x80xi32, #tpu.memory_space<hbm>>
        %dma_start3A_90 = arith.constant 0 : i32
        %dma_start3A_91 = arith.constant 0 : i32
        %dma_start3A_92 = arith.constant 0 : i32
        %dma_start3A_93 = tpu.memref_slice %dma_start3A_89[%arg0, %dma_start3A_90, %dma_start3A_91, %dma_start3A_92] : memref<2x16x125x80xi32, #tpu.memory_space<hbm>> -> memref<1x16x125x80xi32, #tpu.memory_space<hbm>>
        %dma_start3A_94 = tpu.memref_squeeze %dma_start3A_93 : memref<1x16x125x80xi32, #tpu.memory_space<hbm>> -> memref<16x125x80xi32, #tpu.memory_space<hbm>>
        %dma_start3A_95 = arith.constant 0 : i32
        %dma_start3A_96 = arith.constant 0 : i32
        %dma_start3A_97 = tpu.memref_slice %dma_start3A_94[%arg1, %dma_start3A_95, %dma_start3A_96] : memref<16x125x80xi32, #tpu.memory_space<hbm>> -> memref<1x125x80xi32, #tpu.memory_space<hbm>>
        %dma_start3A_98 = tpu.memref_squeeze %dma_start3A_97 : memref<1x125x80xi32, #tpu.memory_space<hbm>> -> memref<125x80xi32, #tpu.memory_space<hbm>>
        %dma_start3A_99 = arith.constant 0 : i32
        %dma_start3A_100 = tpu.memref_slice %dma_start3A_98[%mul3A_46, %dma_start3A_99] : memref<125x80xi32, #tpu.memory_space<hbm>> -> memref<62x80xi32, #tpu.memory_space<hbm>>
        tpu.enqueue_dma source(%dma_start3A_100 : memref<62x80xi32, #tpu.memory_space<hbm>>) target(%arg6 : memref<62x80xi32, #tpu.memory_space<vmem>>) target_semaphore(%run_scoped3A_66 : memref<!tpu.dma_semaphore, #tpu.memory_space<semaphore_mem>>)
        %dma_wait3A_101 = arith.constant 0 : i32
        %dma_wait3A_102 = arith.constant 0 : i32
        %dma_wait3A_103 = arith.constant 0 : i32
        %dma_wait3A_104 = arith.constant 0 : i32
        %dma_wait3A_105 = tpu.memref_slice %arg2[%run_scoped3A_47, %dma_wait3A_101, %dma_wait3A_102, %dma_wait3A_103, %dma_wait3A_104] : memref<2x2x16x125x80xi32, #tpu.memory_space<hbm>> -> memref<1x2x16x125x80xi32, #tpu.memory_space<hbm>>
        %dma_wait3A_106 = tpu.memref_squeeze %dma_wait3A_105 : memref<1x2x16x125x80xi32, #tpu.memory_space<hbm>> -> memref<2x16x125x80xi32, #tpu.memory_space<hbm>>
        %dma_wait3A_107 = arith.constant 0 : i32
        %dma_wait3A_108 = arith.constant 0 : i32
        %dma_wait3A_109 = arith.constant 0 : i32
        %dma_wait3A_110 = tpu.memref_slice %dma_wait3A_106[%arg0, %dma_wait3A_107, %dma_wait3A_108, %dma_wait3A_109] : memref<2x16x125x80xi32, #tpu.memory_space<hbm>> -> memref<1x16x125x80xi32, #tpu.memory_space<hbm>>
        %dma_wait3A_111 = tpu.memref_squeeze %dma_wait3A_110 : memref<1x16x125x80xi32, #tpu.memory_space<hbm>> -> memref<16x125x80xi32, #tpu.memory_space<hbm>>
        %dma_wait3A_112 = arith.constant 0 : i32
        %dma_wait3A_113 = arith.constant 0 : i32
        %dma_wait3A_114 = tpu.memref_slice %dma_wait3A_111[%arg1, %dma_wait3A_112, %dma_wait3A_113] : memref<16x125x80xi32, #tpu.memory_space<hbm>> -> memref<1x125x80xi32, #tpu.memory_space<hbm>>
        %dma_wait3A_115 = tpu.memref_squeeze %dma_wait3A_114 : memref<1x125x80xi32, #tpu.memory_space<hbm>> -> memref<125x80xi32, #tpu.memory_space<hbm>>
        %dma_wait3A_116 = arith.constant 0 : i32
        %dma_wait3A_117 = tpu.memref_slice %dma_wait3A_115[%mul3A_46, %dma_wait3A_116] : memref<125x80xi32, #tpu.memory_space<hbm>> -> memref<62x80xi32, #tpu.memory_space<hbm>>
        %dma_wait3A_118 = arith.constant 0 : i32
        %dma_wait3A_119 = arith.constant 0 : i32
        %dma_wait3A_120 = arith.constant 0 : i32
        %dma_wait3A_121 = arith.constant 0 : i32
        %dma_wait3A_122 = tpu.memref_slice %arg2[%run_scoped3A_47, %dma_wait3A_118, %dma_wait3A_119, %dma_wait3A_120, %dma_wait3A_121] : memref<2x2x16x125x80xi32, #tpu.memory_space<hbm>> -> memref<1x2x16x125x80xi32, #tpu.memory_space<hbm>>
        %dma_wait3A_123 = tpu.memref_squeeze %dma_wait3A_122 : memref<1x2x16x125x80xi32, #tpu.memory_space<hbm>> -> memref<2x16x125x80xi32, #tpu.memory_space<hbm>>
        %dma_wait3A_124 = arith.constant 0 : i32
        %dma_wait3A_125 = arith.constant 0 : i32
        %dma_wait3A_126 = arith.constant 0 : i32
        %dma_wait3A_127 = tpu.memref_slice %dma_wait3A_123[%arg0, %dma_wait3A_124, %dma_wait3A_125, %dma_wait3A_126] : memref<2x16x125x80xi32, #tpu.memory_space<hbm>> -> memref<1x16x125x80xi32, #tpu.memory_space<hbm>>
        %dma_wait3A_128 = tpu.memref_squeeze %dma_wait3A_127 : memref<1x16x125x80xi32, #tpu.memory_space<hbm>> -> memref<16x125x80xi32, #tpu.memory_space<hbm>>
        %dma_wait3A_129 = arith.constant 0 : i32
        %dma_wait3A_130 = arith.constant 0 : i32
        %dma_wait3A_131 = tpu.memref_slice %dma_wait3A_128[%arg1, %dma_wait3A_129, %dma_wait3A_130] : memref<16x125x80xi32, #tpu.memory_space<hbm>> -> memref<1x125x80xi32, #tpu.memory_space<hbm>>
        %dma_wait3A_132 = tpu.memref_squeeze %dma_wait3A_131 : memref<1x125x80xi32, #tpu.memory_space<hbm>> -> memref<125x80xi32, #tpu.memory_space<hbm>>
        %dma_wait3A_133 = arith.constant 0 : i32
        %dma_wait3A_134 = tpu.memref_slice %dma_wait3A_132[%mul3A_46, %dma_wait3A_133] : memref<125x80xi32, #tpu.memory_space<hbm>> -> memref<62x80xi32, #tpu.memory_space<hbm>>
        tpu.wait_dma2 semaphore(%run_scoped3A_66 : memref<!tpu.dma_semaphore, #tpu.memory_space<semaphore_mem>>) src(%dma_wait3A_134 : memref<62x80xi32, #tpu.memory_space<hbm>>) dst(%arg6 : memref<62x80xi32, #tpu.memory_space<vmem>>)
        tpu.yield
      }) : () -> ()
      %run_scoped3A_48 = arith.constant 1 : i32
      "tpu.region"() ({
        %run_scoped3A_66 = tpu.sem_alloc : memref<!tpu.dma_semaphore, #tpu.memory_space<semaphore_mem>>
        %dma_start3A_67 = arith.constant 0 : i32
        %dma_start3A_68 = arith.constant 0 : i32
        %dma_start3A_69 = arith.constant 0 : i32
        %dma_start3A_70 = arith.constant 0 : i32
        %dma_start3A_71 = tpu.memref_slice %arg2[%run_scoped3A_48, %dma_start3A_67, %dma_start3A_68, %dma_start3A_69, %dma_start3A_70] : memref<2x2x16x125x80xi32, #tpu.memory_space<hbm>> -> memref<1x2x16x125x80xi32, #tpu.memory_space<hbm>>
        %dma_start3A_72 = tpu.memref_squeeze %dma_start3A_71 : memref<1x2x16x125x80xi32, #tpu.memory_space<hbm>> -> memref<2x16x125x80xi32, #tpu.memory_space<hbm>>
        %dma_start3A_73 = arith.constant 0 : i32
        %dma_start3A_74 = arith.constant 0 : i32
        %dma_start3A_75 = arith.constant 0 : i32
        %dma_start3A_76 = tpu.memref_slice %dma_start3A_72[%arg0, %dma_start3A_73, %dma_start3A_74, %dma_start3A_75] : memref<2x16x125x80xi32, #tpu.memory_space<hbm>> -> memref<1x16x125x80xi32, #tpu.memory_space<hbm>>
        %dma_start3A_77 = tpu.memref_squeeze %dma_start3A_76 : memref<1x16x125x80xi32, #tpu.memory_space<hbm>> -> memref<16x125x80xi32, #tpu.memory_space<hbm>>
        %dma_start3A_78 = arith.constant 0 : i32
        %dma_start3A_79 = arith.constant 0 : i32
        %dma_start3A_80 = tpu.memref_slice %dma_start3A_77[%arg1, %dma_start3A_78, %dma_start3A_79] : memref<16x125x80xi32, #tpu.memory_space<hbm>> -> memref<1x125x80xi32, #tpu.memory_space<hbm>>
        %dma_start3A_81 = tpu.memref_squeeze %dma_start3A_80 : memref<1x125x80xi32, #tpu.memory_space<hbm>> -> memref<125x80xi32, #tpu.memory_space<hbm>>
        %dma_start3A_82 = arith.constant 0 : i32
        %dma_start3A_83 = tpu.memref_slice %dma_start3A_81[%mul3A_46, %dma_start3A_82] : memref<125x80xi32, #tpu.memory_space<hbm>> -> memref<62x80xi32, #tpu.memory_space<hbm>>
        %dma_start3A_84 = arith.constant 0 : i32
        %dma_start3A_85 = arith.constant 0 : i32
        %dma_start3A_86 = arith.constant 0 : i32
        %dma_start3A_87 = arith.constant 0 : i32
        %dma_start3A_88 = tpu.memref_slice %arg2[%run_scoped3A_48, %dma_start3A_84, %dma_start3A_85, %dma_start3A_86, %dma_start3A_87] : memref<2x2x16x125x80xi32, #tpu.memory_space<hbm>> -> memref<1x2x16x125x80xi32, #tpu.memory_space<hbm>>
        %dma_start3A_89 = tpu.memref_squeeze %dma_start3A_88 : memref<1x2x16x125x80xi32, #tpu.memory_space<hbm>> -> memref<2x16x125x80xi32, #tpu.memory_space<hbm>>
        %dma_start3A_90 = arith.constant 0 : i32
        %dma_start3A_91 = arith.constant 0 : i32
        %dma_start3A_92 = arith.constant 0 : i32
        %dma_start3A_93 = tpu.memref_slice %dma_start3A_89[%arg0, %dma_start3A_90, %dma_start3A_91, %dma_start3A_92] : memref<2x16x125x80xi32, #tpu.memory_space<hbm>> -> memref<1x16x125x80xi32, #tpu.memory_space<hbm>>
        %dma_start3A_94 = tpu.memref_squeeze %dma_start3A_93 : memref<1x16x125x80xi32, #tpu.memory_space<hbm>> -> memref<16x125x80xi32, #tpu.memory_space<hbm>>
        %dma_start3A_95 = arith.constant 0 : i32
        %dma_start3A_96 = arith.constant 0 : i32
        %dma_start3A_97 = tpu.memref_slice %dma_start3A_94[%arg1, %dma_start3A_95, %dma_start3A_96] : memref<16x125x80xi32, #tpu.memory_space<hbm>> -> memref<1x125x80xi32, #tpu.memory_space<hbm>>
        %dma_start3A_98 = tpu.memref_squeeze %dma_start3A_97 : memref<1x125x80xi32, #tpu.memory_space<hbm>> -> memref<125x80xi32, #tpu.memory_space<hbm>>
        %dma_start3A_99 = arith.constant 0 : i32
        %dma_start3A_100 = tpu.memref_slice %dma_start3A_98[%mul3A_46, %dma_start3A_99] : memref<125x80xi32, #tpu.memory_space<hbm>> -> memref<62x80xi32, #tpu.memory_space<hbm>>
        tpu.enqueue_dma source(%dma_start3A_100 : memref<62x80xi32, #tpu.memory_space<hbm>>) target(%arg7 : memref<62x80xi32, #tpu.memory_space<vmem>>) target_semaphore(%run_scoped3A_66 : memref<!tpu.dma_semaphore, #tpu.memory_space<semaphore_mem>>)
        %dma_wait3A_101 = arith.constant 0 : i32
        %dma_wait3A_102 = arith.constant 0 : i32
        %dma_wait3A_103 = arith.constant 0 : i32
        %dma_wait3A_104 = arith.constant 0 : i32
        %dma_wait3A_105 = tpu.memref_slice %arg2[%run_scoped3A_48, %dma_wait3A_101, %dma_wait3A_102, %dma_wait3A_103, %dma_wait3A_104] : memref<2x2x16x125x80xi32, #tpu.memory_space<hbm>> -> memref<1x2x16x125x80xi32, #tpu.memory_space<hbm>>
        %dma_wait3A_106 = tpu.memref_squeeze %dma_wait3A_105 : memref<1x2x16x125x80xi32, #tpu.memory_space<hbm>> -> memref<2x16x125x80xi32, #tpu.memory_space<hbm>>
        %dma_wait3A_107 = arith.constant 0 : i32
        %dma_wait3A_108 = arith.constant 0 : i32
        %dma_wait3A_109 = arith.constant 0 : i32
        %dma_wait3A_110 = tpu.memref_slice %dma_wait3A_106[%arg0, %dma_wait3A_107, %dma_wait3A_108, %dma_wait3A_109] : memref<2x16x125x80xi32, #tpu.memory_space<hbm>> -> memref<1x16x125x80xi32, #tpu.memory_space<hbm>>
        %dma_wait3A_111 = tpu.memref_squeeze %dma_wait3A_110 : memref<1x16x125x80xi32, #tpu.memory_space<hbm>> -> memref<16x125x80xi32, #tpu.memory_space<hbm>>
        %dma_wait3A_112 = arith.constant 0 : i32
        %dma_wait3A_113 = arith.constant 0 : i32
        %dma_wait3A_114 = tpu.memref_slice %dma_wait3A_111[%arg1, %dma_wait3A_112, %dma_wait3A_113] : memref<16x125x80xi32, #tpu.memory_space<hbm>> -> memref<1x125x80xi32, #tpu.memory_space<hbm>>
        %dma_wait3A_115 = tpu.memref_squeeze %dma_wait3A_114 : memref<1x125x80xi32, #tpu.memory_space<hbm>> -> memref<125x80xi32, #tpu.memory_space<hbm>>
        %dma_wait3A_116 = arith.constant 0 : i32
        %dma_wait3A_117 = tpu.memref_slice %dma_wait3A_115[%mul3A_46, %dma_wait3A_116] : memref<125x80xi32, #tpu.memory_space<hbm>> -> memref<62x80xi32, #tpu.memory_space<hbm>>
        %dma_wait3A_118 = arith.constant 0 : i32
        %dma_wait3A_119 = arith.constant 0 : i32
        %dma_wait3A_120 = arith.constant 0 : i32
        %dma_wait3A_121 = arith.constant 0 : i32
        %dma_wait3A_122 = tpu.memref_slice %arg2[%run_scoped3A_48, %dma_wait3A_118, %dma_wait3A_119, %dma_wait3A_120, %dma_wait3A_121] : memref<2x2x16x125x80xi32, #tpu.memory_space<hbm>> -> memref<1x2x16x125x80xi32, #tpu.memory_space<hbm>>
        %dma_wait3A_123 = tpu.memref_squeeze %dma_wait3A_122 : memref<1x2x16x125x80xi32, #tpu.memory_space<hbm>> -> memref<2x16x125x80xi32, #tpu.memory_space<hbm>>
        %dma_wait3A_124 = arith.constant 0 : i32
        %dma_wait3A_125 = arith.constant 0 : i32
        %dma_wait3A_126 = arith.constant 0 : i32
        %dma_wait3A_127 = tpu.memref_slice %dma_wait3A_123[%arg0, %dma_wait3A_124, %dma_wait3A_125, %dma_wait3A_126] : memref<2x16x125x80xi32, #tpu.memory_space<hbm>> -> memref<1x16x125x80xi32, #tpu.memory_space<hbm>>
        %dma_wait3A_128 = tpu.memref_squeeze %dma_wait3A_127 : memref<1x16x125x80xi32, #tpu.memory_space<hbm>> -> memref<16x125x80xi32, #tpu.memory_space<hbm>>
        %dma_wait3A_129 = arith.constant 0 : i32
        %dma_wait3A_130 = arith.constant 0 : i32
        %dma_wait3A_131 = tpu.memref_slice %dma_wait3A_128[%arg1, %dma_wait3A_129, %dma_wait3A_130] : memref<16x125x80xi32, #tpu.memory_space<hbm>> -> memref<1x125x80xi32, #tpu.memory_space<hbm>>
        %dma_wait3A_132 = tpu.memref_squeeze %dma_wait3A_131 : memref<1x125x80xi32, #tpu.memory_space<hbm>> -> memref<125x80xi32, #tpu.memory_space<hbm>>
        %dma_wait3A_133 = arith.constant 0 : i32
        %dma_wait3A_134 = tpu.memref_slice %dma_wait3A_132[%mul3A_46, %dma_wait3A_133] : memref<125x80xi32, #tpu.memory_space<hbm>> -> memref<62x80xi32, #tpu.memory_space<hbm>>
        tpu.wait_dma2 semaphore(%run_scoped3A_66 : memref<!tpu.dma_semaphore, #tpu.memory_space<semaphore_mem>>) src(%dma_wait3A_134 : memref<62x80xi32, #tpu.memory_space<hbm>>) dst(%arg7 : memref<62x80xi32, #tpu.memory_space<vmem>>)
        tpu.yield
      }) : () -> ()
      %dma_start3A = arith.constant 0 : i32
      %dma_start3A_49 = arith.constant 0 : i32
      %dma_start3A_50 = tpu.memref_slice %arg6[%dma_start3A, %dma_start3A_49] : memref<62x80xi32, #tpu.memory_space<vmem>> -> memref<1x80xi32, #tpu.memory_space<vmem>>
      %dma_start3A_51 = tpu.memref_squeeze %dma_start3A_50 : memref<1x80xi32, #tpu.memory_space<vmem>> -> memref<80xi32, #tpu.memory_space<vmem>>
      %dma_start3A_52 = arith.constant 0 : i32
      %dma_start3A_53 = arith.constant 0 : i32
      %dma_start3A_54 = tpu.memref_slice %arg3[%dma_start3A_52, %dma_start3A_53] : memref<10000x144xf32, #tpu.memory_space<hbm>> -> memref<10000x144xf32, #tpu.memory_space<hbm>>
      tpu.enqueue_indirect_dma source(%dma_start3A_54 : memref<10000x144xf32, #tpu.memory_space<hbm>>) target(%arg8 : memref<80x144xf32, #tpu.memory_space<vmem>>) offsets(%dma_start3A_51 : memref<80xi32, #tpu.memory_space<vmem>>) semaphore(%arg11 : memref<!tpu.dma_semaphore, #tpu.memory_space<semaphore_mem>>)
      %scan3A_55 = arith.constant 0 : i32
      %scan3A_56 = arith.constant 31 : i32
      %scan3A_57 = arith.addi %scan3A_55, %scan3A_56 : i32
      %scan3A_58 = arith.constant 1 : i32
      scf.for %scan3A_66 = %scan3A_55 to %scan3A_57 step %scan3A_58  : i32 {
        %mul3A_67 = arith.constant 2 : i32
        %mul3A_68 = arith.muli %scan3A_66, %mul3A_67 : i32
        %add3A_69 = arith.constant 0 : i32
        %add3A_70 = arith.addi %add3A_69, %mul3A_68 : i32
        %add3A_71 = arith.constant 0 : i32
        %add3A_72 = arith.addi %add3A_70, %add3A_71 : i32
        %ge3A = arith.constant 1 : i32
        %ge3A_73 = arith.cmpi sge, %add3A_72, %ge3A : i32
        %convert_element_type3A_74 = arith.extui %ge3A_73 : i1 to i32
        %cond3A_75 = arith.constant 0 : i32
        %cond3A_76 = arith.cmpi ne, %convert_element_type3A_74, %cond3A_75 : i32
        scf.if %cond3A_76 {
          %sub3A = arith.constant 1 : i32
          %sub3A_121 = arith.subi %add3A_72, %sub3A : i32
          %dma_wait3A_122 = arith.constant 0 : i32
          %dma_wait3A_123 = tpu.memref_slice %arg7[%sub3A_121, %dma_wait3A_122] : memref<62x80xi32, #tpu.memory_space<vmem>> -> memref<1x80xi32, #tpu.memory_space<vmem>>
          %dma_wait3A_124 = tpu.memref_squeeze %dma_wait3A_123 : memref<1x80xi32, #tpu.memory_space<vmem>> -> memref<80xi32, #tpu.memory_space<vmem>>
          %dma_wait3A_125 = arith.constant 0 : i32
          %dma_wait3A_126 = arith.constant 0 : i32
          %dma_wait3A_127 = tpu.memref_slice %arg10[%dma_wait3A_125, %dma_wait3A_126] : memref<10000x144xf32, #tpu.memory_space<vmem_shared>> -> memref<10000x144xf32, #tpu.memory_space<vmem_shared>>
          tpu.wait_indirect_dma semaphore(%arg14 : memref<!tpu.dma_semaphore, #tpu.memory_space<semaphore_mem>>) src(%arg9 : memref<80x144xf32, #tpu.memory_space<vmem>>) dst(%dma_wait3A_127 : memref<10000x144xf32, #tpu.memory_space<vmem_shared>>)
        } else {
        }
        %add3A_77 = arith.constant 1 : i32
        %add3A_78 = arith.addi %add3A_72, %add3A_77 : i32
        %lt3A = arith.constant 62 : i32
        %lt3A_79 = arith.cmpi slt, %add3A_78, %lt3A : i32
        %convert_element_type3A_80 = arith.extui %lt3A_79 : i1 to i32
        %cond3A_81 = arith.constant 0 : i32
        %cond3A_82 = arith.cmpi ne, %convert_element_type3A_80, %cond3A_81 : i32
        scf.if %cond3A_82 {
          %add3A_121 = arith.constant 1 : i32
          %add3A_122 = arith.addi %add3A_72, %add3A_121 : i32
          %dma_start3A_123 = arith.constant 0 : i32
          %dma_start3A_124 = tpu.memref_slice %arg6[%add3A_122, %dma_start3A_123] : memref<62x80xi32, #tpu.memory_space<vmem>> -> memref<1x80xi32, #tpu.memory_space<vmem>>
          %dma_start3A_125 = tpu.memref_squeeze %dma_start3A_124 : memref<1x80xi32, #tpu.memory_space<vmem>> -> memref<80xi32, #tpu.memory_space<vmem>>
          %dma_start3A_126 = arith.constant 0 : i32
          %dma_start3A_127 = arith.constant 0 : i32
          %dma_start3A_128 = tpu.memref_slice %arg3[%dma_start3A_126, %dma_start3A_127] : memref<10000x144xf32, #tpu.memory_space<hbm>> -> memref<10000x144xf32, #tpu.memory_space<hbm>>
          tpu.enqueue_indirect_dma source(%dma_start3A_128 : memref<10000x144xf32, #tpu.memory_space<hbm>>) target(%arg9 : memref<80x144xf32, #tpu.memory_space<vmem>>) offsets(%dma_start3A_125 : memref<80xi32, #tpu.memory_space<vmem>>) semaphore(%arg12 : memref<!tpu.dma_semaphore, #tpu.memory_space<semaphore_mem>>)
        } else {
        }
        %dma_wait3A_83 = arith.constant 0 : i32
        %dma_wait3A_84 = tpu.memref_slice %arg6[%add3A_72, %dma_wait3A_83] : memref<62x80xi32, #tpu.memory_space<vmem>> -> memref<1x80xi32, #tpu.memory_space<vmem>>
        %dma_wait3A_85 = tpu.memref_squeeze %dma_wait3A_84 : memref<1x80xi32, #tpu.memory_space<vmem>> -> memref<80xi32, #tpu.memory_space<vmem>>
        %dma_wait3A_86 = arith.constant 0 : i32
        %dma_wait3A_87 = arith.constant 0 : i32
        %dma_wait3A_88 = tpu.memref_slice %arg3[%dma_wait3A_86, %dma_wait3A_87] : memref<10000x144xf32, #tpu.memory_space<hbm>> -> memref<10000x144xf32, #tpu.memory_space<hbm>>
        tpu.wait_indirect_dma semaphore(%arg11 : memref<!tpu.dma_semaphore, #tpu.memory_space<semaphore_mem>>) src(%dma_wait3A_88 : memref<10000x144xf32, #tpu.memory_space<hbm>>) dst(%arg8 : memref<80x144xf32, #tpu.memory_space<vmem>>)
        %dma_start3A_89 = arith.constant 0 : i32
        %dma_start3A_90 = tpu.memref_slice %arg7[%add3A_72, %dma_start3A_89] : memref<62x80xi32, #tpu.memory_space<vmem>> -> memref<1x80xi32, #tpu.memory_space<vmem>>
        %dma_start3A_91 = tpu.memref_squeeze %dma_start3A_90 : memref<1x80xi32, #tpu.memory_space<vmem>> -> memref<80xi32, #tpu.memory_space<vmem>>
        %dma_start3A_92 = arith.constant 0 : i32
        %dma_start3A_93 = arith.constant 0 : i32
        %dma_start3A_94 = tpu.memref_slice %arg10[%dma_start3A_92, %dma_start3A_93] : memref<10000x144xf32, #tpu.memory_space<vmem_shared>> -> memref<10000x144xf32, #tpu.memory_space<vmem_shared>>
        tpu.enqueue_indirect_dma source(%arg8 : memref<80x144xf32, #tpu.memory_space<vmem>>) target(%dma_start3A_94 : memref<10000x144xf32, #tpu.memory_space<vmem_shared>>) offsets(%dma_start3A_91 : memref<80xi32, #tpu.memory_space<vmem>>) semaphore(%arg13 : memref<!tpu.dma_semaphore, #tpu.memory_space<semaphore_mem>>) {add = true}
        %add3A_95 = arith.constant 1 : i32
        %add3A_96 = arith.addi %add3A_70, %add3A_95 : i32
        %ge3A_97 = arith.constant 1 : i32
        %ge3A_98 = arith.cmpi sge, %add3A_96, %ge3A_97 : i32
        %convert_element_type3A_99 = arith.extui %ge3A_98 : i1 to i32
        %cond3A_100 = arith.constant 0 : i32
        %cond3A_101 = arith.cmpi ne, %convert_element_type3A_99, %cond3A_100 : i32
        scf.if %cond3A_101 {
          %sub3A = arith.constant 1 : i32
          %sub3A_121 = arith.subi %add3A_96, %sub3A : i32
          %dma_wait3A_122 = arith.constant 0 : i32
          %dma_wait3A_123 = tpu.memref_slice %arg7[%sub3A_121, %dma_wait3A_122] : memref<62x80xi32, #tpu.memory_space<vmem>> -> memref<1x80xi32, #tpu.memory_space<vmem>>
          %dma_wait3A_124 = tpu.memref_squeeze %dma_wait3A_123 : memref<1x80xi32, #tpu.memory_space<vmem>> -> memref<80xi32, #tpu.memory_space<vmem>>
          %dma_wait3A_125 = arith.constant 0 : i32
          %dma_wait3A_126 = arith.constant 0 : i32
          %dma_wait3A_127 = tpu.memref_slice %arg10[%dma_wait3A_125, %dma_wait3A_126] : memref<10000x144xf32, #tpu.memory_space<vmem_shared>> -> memref<10000x144xf32, #tpu.memory_space<vmem_shared>>
          tpu.wait_indirect_dma semaphore(%arg13 : memref<!tpu.dma_semaphore, #tpu.memory_space<semaphore_mem>>) src(%arg8 : memref<80x144xf32, #tpu.memory_space<vmem>>) dst(%dma_wait3A_127 : memref<10000x144xf32, #tpu.memory_space<vmem_shared>>)
        } else {
        }
        %add3A_102 = arith.constant 1 : i32
        %add3A_103 = arith.addi %add3A_96, %add3A_102 : i32
        %lt3A_104 = arith.constant 62 : i32
        %lt3A_105 = arith.cmpi slt, %add3A_103, %lt3A_104 : i32
        %convert_element_type3A_106 = arith.extui %lt3A_105 : i1 to i32
        %cond3A_107 = arith.constant 0 : i32
        %cond3A_108 = arith.cmpi ne, %convert_element_type3A_106, %cond3A_107 : i32
        scf.if %cond3A_108 {
          %add3A_121 = arith.constant 1 : i32
          %add3A_122 = arith.addi %add3A_96, %add3A_121 : i32
          %dma_start3A_123 = arith.constant 0 : i32
          %dma_start3A_124 = tpu.memref_slice %arg6[%add3A_122, %dma_start3A_123] : memref<62x80xi32, #tpu.memory_space<vmem>> -> memref<1x80xi32, #tpu.memory_space<vmem>>
          %dma_start3A_125 = tpu.memref_squeeze %dma_start3A_124 : memref<1x80xi32, #tpu.memory_space<vmem>> -> memref<80xi32, #tpu.memory_space<vmem>>
          %dma_start3A_126 = arith.constant 0 : i32
          %dma_start3A_127 = arith.constant 0 : i32
          %dma_start3A_128 = tpu.memref_slice %arg3[%dma_start3A_126, %dma_start3A_127] : memref<10000x144xf32, #tpu.memory_space<hbm>> -> memref<10000x144xf32, #tpu.memory_space<hbm>>
          tpu.enqueue_indirect_dma source(%dma_start3A_128 : memref<10000x144xf32, #tpu.memory_space<hbm>>) target(%arg8 : memref<80x144xf32, #tpu.memory_space<vmem>>) offsets(%dma_start3A_125 : memref<80xi32, #tpu.memory_space<vmem>>) semaphore(%arg11 : memref<!tpu.dma_semaphore, #tpu.memory_space<semaphore_mem>>)
        } else {
        }
        %dma_wait3A_109 = arith.constant 0 : i32
        %dma_wait3A_110 = tpu.memref_slice %arg6[%add3A_96, %dma_wait3A_109] : memref<62x80xi32, #tpu.memory_space<vmem>> -> memref<1x80xi32, #tpu.memory_space<vmem>>
        %dma_wait3A_111 = tpu.memref_squeeze %dma_wait3A_110 : memref<1x80xi32, #tpu.memory_space<vmem>> -> memref<80xi32, #tpu.memory_space<vmem>>
        %dma_wait3A_112 = arith.constant 0 : i32
        %dma_wait3A_113 = arith.constant 0 : i32
        %dma_wait3A_114 = tpu.memref_slice %arg3[%dma_wait3A_112, %dma_wait3A_113] : memref<10000x144xf32, #tpu.memory_space<hbm>> -> memref<10000x144xf32, #tpu.memory_space<hbm>>
        tpu.wait_indirect_dma semaphore(%arg12 : memref<!tpu.dma_semaphore, #tpu.memory_space<semaphore_mem>>) src(%dma_wait3A_114 : memref<10000x144xf32, #tpu.memory_space<hbm>>) dst(%arg9 : memref<80x144xf32, #tpu.memory_space<vmem>>)
        %dma_start3A_115 = arith.constant 0 : i32
        %dma_start3A_116 = tpu.memref_slice %arg7[%add3A_96, %dma_start3A_115] : memref<62x80xi32, #tpu.memory_space<vmem>> -> memref<1x80xi32, #tpu.memory_space<vmem>>
        %dma_start3A_117 = tpu.memref_squeeze %dma_start3A_116 : memref<1x80xi32, #tpu.memory_space<vmem>> -> memref<80xi32, #tpu.memory_space<vmem>>
        %dma_start3A_118 = arith.constant 0 : i32
        %dma_start3A_119 = arith.constant 0 : i32
        %dma_start3A_120 = tpu.memref_slice %arg10[%dma_start3A_118, %dma_start3A_119] : memref<10000x144xf32, #tpu.memory_space<vmem_shared>> -> memref<10000x144xf32, #tpu.memory_space<vmem_shared>>
        tpu.enqueue_indirect_dma source(%arg9 : memref<80x144xf32, #tpu.memory_space<vmem>>) target(%dma_start3A_120 : memref<10000x144xf32, #tpu.memory_space<vmem_shared>>) offsets(%dma_start3A_117 : memref<80xi32, #tpu.memory_space<vmem>>) semaphore(%arg14 : memref<!tpu.dma_semaphore, #tpu.memory_space<semaphore_mem>>) {add = true}
      }
      %scan3A_59 = arith.constant 31 : i32
      %dma_wait3A = arith.constant 61 : i32
      %dma_wait3A_60 = arith.constant 0 : i32
      %dma_wait3A_61 = tpu.memref_slice %arg7[%dma_wait3A, %dma_wait3A_60] : memref<62x80xi32, #tpu.memory_space<vmem>> -> memref<1x80xi32, #tpu.memory_space<vmem>>
      %dma_wait3A_62 = tpu.memref_squeeze %dma_wait3A_61 : memref<1x80xi32, #tpu.memory_space<vmem>> -> memref<80xi32, #tpu.memory_space<vmem>>
      %dma_wait3A_63 = arith.constant 0 : i32
      %dma_wait3A_64 = arith.constant 0 : i32
      %dma_wait3A_65 = tpu.memref_slice %arg10[%dma_wait3A_63, %dma_wait3A_64] : memref<10000x144xf32, #tpu.memory_space<vmem_shared>> -> memref<10000x144xf32, #tpu.memory_space<vmem_shared>>
      tpu.wait_indirect_dma semaphore(%arg14 : memref<!tpu.dma_semaphore, #tpu.memory_space<semaphore_mem>>) src(%arg9 : memref<80x144xf32, #tpu.memory_space<vmem>>) dst(%dma_wait3A_65 : memref<10000x144xf32, #tpu.memory_space<vmem_shared>>)
    }
    %scan3A_24 = arith.constant 2 : i32
    %run_scoped3A = arith.constant 0 : i32
    "tpu.region"() ({
      %run_scoped3A_40 = tpu.sem_alloc : memref<!tpu.dma_semaphore, #tpu.memory_space<semaphore_mem>>
      %dma_start3A = arith.constant 0 : i32
      %dma_start3A_41 = arith.constant 0 : i32
      %dma_start3A_42 = tpu.memref_slice %arg6[%dma_start3A, %dma_start3A_41] : memref<62x80xi32, #tpu.memory_space<vmem>> -> memref<1x80xi32, #tpu.memory_space<vmem>>
      %dma_start3A_43 = arith.constant 0 : i32
      %dma_start3A_44 = arith.constant 0 : i32
      %dma_start3A_45 = arith.constant 0 : i32
      %dma_start3A_46 = arith.constant 0 : i32
      %dma_start3A_47 = tpu.memref_slice %arg2[%run_scoped3A, %dma_start3A_43, %dma_start3A_44, %dma_start3A_45, %dma_start3A_46] : memref<2x2x16x125x80xi32, #tpu.memory_space<hbm>> -> memref<1x2x16x125x80xi32, #tpu.memory_space<hbm>>
      %dma_start3A_48 = tpu.memref_squeeze %dma_start3A_47 : memref<1x2x16x125x80xi32, #tpu.memory_space<hbm>> -> memref<2x16x125x80xi32, #tpu.memory_space<hbm>>
      %dma_start3A_49 = arith.constant 0 : i32
      %dma_start3A_50 = arith.constant 0 : i32
      %dma_start3A_51 = arith.constant 0 : i32
      %dma_start3A_52 = tpu.memref_slice %dma_start3A_48[%arg0, %dma_start3A_49, %dma_start3A_50, %dma_start3A_51] : memref<2x16x125x80xi32, #tpu.memory_space<hbm>> -> memref<1x16x125x80xi32, #tpu.memory_space<hbm>>
      %dma_start3A_53 = tpu.memref_squeeze %dma_start3A_52 : memref<1x16x125x80xi32, #tpu.memory_space<hbm>> -> memref<16x125x80xi32, #tpu.memory_space<hbm>>
      %dma_start3A_54 = arith.constant 0 : i32
      %dma_start3A_55 = arith.constant 0 : i32
      %dma_start3A_56 = tpu.memref_slice %dma_start3A_53[%arg1, %dma_start3A_54, %dma_start3A_55] : memref<16x125x80xi32, #tpu.memory_space<hbm>> -> memref<1x125x80xi32, #tpu.memory_space<hbm>>
      %dma_start3A_57 = tpu.memref_squeeze %dma_start3A_56 : memref<1x125x80xi32, #tpu.memory_space<hbm>> -> memref<125x80xi32, #tpu.memory_space<hbm>>
      %dma_start3A_58 = arith.constant 124 : i32
      %dma_start3A_59 = arith.constant 0 : i32
      %dma_start3A_60 = tpu.memref_slice %dma_start3A_57[%dma_start3A_58, %dma_start3A_59] : memref<125x80xi32, #tpu.memory_space<hbm>> -> memref<1x80xi32, #tpu.memory_space<hbm>>
      %dma_start3A_61 = arith.constant 0 : i32
      %dma_start3A_62 = arith.constant 0 : i32
      %dma_start3A_63 = tpu.memref_slice %arg6[%dma_start3A_61, %dma_start3A_62] : memref<62x80xi32, #tpu.memory_space<vmem>> -> memref<1x80xi32, #tpu.memory_space<vmem>>
      %dma_start3A_64 = arith.constant 0 : i32
      %dma_start3A_65 = arith.constant 0 : i32
      %dma_start3A_66 = arith.constant 0 : i32
      %dma_start3A_67 = arith.constant 0 : i32
      %dma_start3A_68 = tpu.memref_slice %arg2[%run_scoped3A, %dma_start3A_64, %dma_start3A_65, %dma_start3A_66, %dma_start3A_67] : memref<2x2x16x125x80xi32, #tpu.memory_space<hbm>> -> memref<1x2x16x125x80xi32, #tpu.memory_space<hbm>>
      %dma_start3A_69 = tpu.memref_squeeze %dma_start3A_68 : memref<1x2x16x125x80xi32, #tpu.memory_space<hbm>> -> memref<2x16x125x80xi32, #tpu.memory_space<hbm>>
      %dma_start3A_70 = arith.constant 0 : i32
      %dma_start3A_71 = arith.constant 0 : i32
      %dma_start3A_72 = arith.constant 0 : i32
      %dma_start3A_73 = tpu.memref_slice %dma_start3A_69[%arg0, %dma_start3A_70, %dma_start3A_71, %dma_start3A_72] : memref<2x16x125x80xi32, #tpu.memory_space<hbm>> -> memref<1x16x125x80xi32, #tpu.memory_space<hbm>>
      %dma_start3A_74 = tpu.memref_squeeze %dma_start3A_73 : memref<1x16x125x80xi32, #tpu.memory_space<hbm>> -> memref<16x125x80xi32, #tpu.memory_space<hbm>>
      %dma_start3A_75 = arith.constant 0 : i32
      %dma_start3A_76 = arith.constant 0 : i32
      %dma_start3A_77 = tpu.memref_slice %dma_start3A_74[%arg1, %dma_start3A_75, %dma_start3A_76] : memref<16x125x80xi32, #tpu.memory_space<hbm>> -> memref<1x125x80xi32, #tpu.memory_space<hbm>>
      %dma_start3A_78 = tpu.memref_squeeze %dma_start3A_77 : memref<1x125x80xi32, #tpu.memory_space<hbm>> -> memref<125x80xi32, #tpu.memory_space<hbm>>
      %dma_start3A_79 = arith.constant 124 : i32
      %dma_start3A_80 = arith.constant 0 : i32
      %dma_start3A_81 = tpu.memref_slice %dma_start3A_78[%dma_start3A_79, %dma_start3A_80] : memref<125x80xi32, #tpu.memory_space<hbm>> -> memref<1x80xi32, #tpu.memory_space<hbm>>
      tpu.enqueue_dma source(%dma_start3A_81 : memref<1x80xi32, #tpu.memory_space<hbm>>) target(%dma_start3A_63 : memref<1x80xi32, #tpu.memory_space<vmem>>) target_semaphore(%run_scoped3A_40 : memref<!tpu.dma_semaphore, #tpu.memory_space<semaphore_mem>>)
      %dma_wait3A = arith.constant 0 : i32
      %dma_wait3A_82 = arith.constant 0 : i32
      %dma_wait3A_83 = tpu.memref_slice %arg6[%dma_wait3A, %dma_wait3A_82] : memref<62x80xi32, #tpu.memory_space<vmem>> -> memref<1x80xi32, #tpu.memory_space<vmem>>
      %dma_wait3A_84 = arith.constant 0 : i32
      %dma_wait3A_85 = arith.constant 0 : i32
      %dma_wait3A_86 = arith.constant 0 : i32
      %dma_wait3A_87 = arith.constant 0 : i32
      %dma_wait3A_88 = tpu.memref_slice %arg2[%run_scoped3A, %dma_wait3A_84, %dma_wait3A_85, %dma_wait3A_86, %dma_wait3A_87] : memref<2x2x16x125x80xi32, #tpu.memory_space<hbm>> -> memref<1x2x16x125x80xi32, #tpu.memory_space<hbm>>
      %dma_wait3A_89 = tpu.memref_squeeze %dma_wait3A_88 : memref<1x2x16x125x80xi32, #tpu.memory_space<hbm>> -> memref<2x16x125x80xi32, #tpu.memory_space<hbm>>
      %dma_wait3A_90 = arith.constant 0 : i32
      %dma_wait3A_91 = arith.constant 0 : i32
      %dma_wait3A_92 = arith.constant 0 : i32
      %dma_wait3A_93 = tpu.memref_slice %dma_wait3A_89[%arg0, %dma_wait3A_90, %dma_wait3A_91, %dma_wait3A_92] : memref<2x16x125x80xi32, #tpu.memory_space<hbm>> -> memref<1x16x125x80xi32, #tpu.memory_space<hbm>>
      %dma_wait3A_94 = tpu.memref_squeeze %dma_wait3A_93 : memref<1x16x125x80xi32, #tpu.memory_space<hbm>> -> memref<16x125x80xi32, #tpu.memory_space<hbm>>
      %dma_wait3A_95 = arith.constant 0 : i32
      %dma_wait3A_96 = arith.constant 0 : i32
      %dma_wait3A_97 = tpu.memref_slice %dma_wait3A_94[%arg1, %dma_wait3A_95, %dma_wait3A_96] : memref<16x125x80xi32, #tpu.memory_space<hbm>> -> memref<1x125x80xi32, #tpu.memory_space<hbm>>
      %dma_wait3A_98 = tpu.memref_squeeze %dma_wait3A_97 : memref<1x125x80xi32, #tpu.memory_space<hbm>> -> memref<125x80xi32, #tpu.memory_space<hbm>>
      %dma_wait3A_99 = arith.constant 124 : i32
      %dma_wait3A_100 = arith.constant 0 : i32
      %dma_wait3A_101 = tpu.memref_slice %dma_wait3A_98[%dma_wait3A_99, %dma_wait3A_100] : memref<125x80xi32, #tpu.memory_space<hbm>> -> memref<1x80xi32, #tpu.memory_space<hbm>>
      %dma_wait3A_102 = arith.constant 0 : i32
      %dma_wait3A_103 = arith.constant 0 : i32
      %dma_wait3A_104 = tpu.memref_slice %arg6[%dma_wait3A_102, %dma_wait3A_103] : memref<62x80xi32, #tpu.memory_space<vmem>> -> memref<1x80xi32, #tpu.memory_space<vmem>>
      %dma_wait3A_105 = arith.constant 0 : i32
      %dma_wait3A_106 = arith.constant 0 : i32
      %dma_wait3A_107 = arith.constant 0 : i32
      %dma_wait3A_108 = arith.constant 0 : i32
      %dma_wait3A_109 = tpu.memref_slice %arg2[%run_scoped3A, %dma_wait3A_105, %dma_wait3A_106, %dma_wait3A_107, %dma_wait3A_108] : memref<2x2x16x125x80xi32, #tpu.memory_space<hbm>> -> memref<1x2x16x125x80xi32, #tpu.memory_space<hbm>>
      %dma_wait3A_110 = tpu.memref_squeeze %dma_wait3A_109 : memref<1x2x16x125x80xi32, #tpu.memory_space<hbm>> -> memref<2x16x125x80xi32, #tpu.memory_space<hbm>>
      %dma_wait3A_111 = arith.constant 0 : i32
      %dma_wait3A_112 = arith.constant 0 : i32
      %dma_wait3A_113 = arith.constant 0 : i32
      %dma_wait3A_114 = tpu.memref_slice %dma_wait3A_110[%arg0, %dma_wait3A_111, %dma_wait3A_112, %dma_wait3A_113] : memref<2x16x125x80xi32, #tpu.memory_space<hbm>> -> memref<1x16x125x80xi32, #tpu.memory_space<hbm>>
      %dma_wait3A_115 = tpu.memref_squeeze %dma_wait3A_114 : memref<1x16x125x80xi32, #tpu.memory_space<hbm>> -> memref<16x125x80xi32, #tpu.memory_space<hbm>>
      %dma_wait3A_116 = arith.constant 0 : i32
      %dma_wait3A_117 = arith.constant 0 : i32
      %dma_wait3A_118 = tpu.memref_slice %dma_wait3A_115[%arg1, %dma_wait3A_116, %dma_wait3A_117] : memref<16x125x80xi32, #tpu.memory_space<hbm>> -> memref<1x125x80xi32, #tpu.memory_space<hbm>>
      %dma_wait3A_119 = tpu.memref_squeeze %dma_wait3A_118 : memref<1x125x80xi32, #tpu.memory_space<hbm>> -> memref<125x80xi32, #tpu.memory_space<hbm>>
      %dma_wait3A_120 = arith.constant 124 : i32
      %dma_wait3A_121 = arith.constant 0 : i32
      %dma_wait3A_122 = tpu.memref_slice %dma_wait3A_119[%dma_wait3A_120, %dma_wait3A_121] : memref<125x80xi32, #tpu.memory_space<hbm>> -> memref<1x80xi32, #tpu.memory_space<hbm>>
      tpu.wait_dma2 semaphore(%run_scoped3A_40 : memref<!tpu.dma_semaphore, #tpu.memory_space<semaphore_mem>>) src(%dma_wait3A_122 : memref<1x80xi32, #tpu.memory_space<hbm>>) dst(%dma_wait3A_104 : memref<1x80xi32, #tpu.memory_space<vmem>>)
      tpu.yield
    }) : () -> ()
    %run_scoped3A_25 = arith.constant 1 : i32
    "tpu.region"() ({
      %run_scoped3A_40 = tpu.sem_alloc : memref<!tpu.dma_semaphore, #tpu.memory_space<semaphore_mem>>
      %dma_start3A = arith.constant 0 : i32
      %dma_start3A_41 = arith.constant 0 : i32
      %dma_start3A_42 = tpu.memref_slice %arg7[%dma_start3A, %dma_start3A_41] : memref<62x80xi32, #tpu.memory_space<vmem>> -> memref<1x80xi32, #tpu.memory_space<vmem>>
      %dma_start3A_43 = arith.constant 0 : i32
      %dma_start3A_44 = arith.constant 0 : i32
      %dma_start3A_45 = arith.constant 0 : i32
      %dma_start3A_46 = arith.constant 0 : i32
      %dma_start3A_47 = tpu.memref_slice %arg2[%run_scoped3A_25, %dma_start3A_43, %dma_start3A_44, %dma_start3A_45, %dma_start3A_46] : memref<2x2x16x125x80xi32, #tpu.memory_space<hbm>> -> memref<1x2x16x125x80xi32, #tpu.memory_space<hbm>>
      %dma_start3A_48 = tpu.memref_squeeze %dma_start3A_47 : memref<1x2x16x125x80xi32, #tpu.memory_space<hbm>> -> memref<2x16x125x80xi32, #tpu.memory_space<hbm>>
      %dma_start3A_49 = arith.constant 0 : i32
      %dma_start3A_50 = arith.constant 0 : i32
      %dma_start3A_51 = arith.constant 0 : i32
      %dma_start3A_52 = tpu.memref_slice %dma_start3A_48[%arg0, %dma_start3A_49, %dma_start3A_50, %dma_start3A_51] : memref<2x16x125x80xi32, #tpu.memory_space<hbm>> -> memref<1x16x125x80xi32, #tpu.memory_space<hbm>>
      %dma_start3A_53 = tpu.memref_squeeze %dma_start3A_52 : memref<1x16x125x80xi32, #tpu.memory_space<hbm>> -> memref<16x125x80xi32, #tpu.memory_space<hbm>>
      %dma_start3A_54 = arith.constant 0 : i32
      %dma_start3A_55 = arith.constant 0 : i32
      %dma_start3A_56 = tpu.memref_slice %dma_start3A_53[%arg1, %dma_start3A_54, %dma_start3A_55] : memref<16x125x80xi32, #tpu.memory_space<hbm>> -> memref<1x125x80xi32, #tpu.memory_space<hbm>>
      %dma_start3A_57 = tpu.memref_squeeze %dma_start3A_56 : memref<1x125x80xi32, #tpu.memory_space<hbm>> -> memref<125x80xi32, #tpu.memory_space<hbm>>
      %dma_start3A_58 = arith.constant 124 : i32
      %dma_start3A_59 = arith.constant 0 : i32
      %dma_start3A_60 = tpu.memref_slice %dma_start3A_57[%dma_start3A_58, %dma_start3A_59] : memref<125x80xi32, #tpu.memory_space<hbm>> -> memref<1x80xi32, #tpu.memory_space<hbm>>
      %dma_start3A_61 = arith.constant 0 : i32
      %dma_start3A_62 = arith.constant 0 : i32
      %dma_start3A_63 = tpu.memref_slice %arg7[%dma_start3A_61, %dma_start3A_62] : memref<62x80xi32, #tpu.memory_space<vmem>> -> memref<1x80xi32, #tpu.memory_space<vmem>>
      %dma_start3A_64 = arith.constant 0 : i32
      %dma_start3A_65 = arith.constant 0 : i32
      %dma_start3A_66 = arith.constant 0 : i32
      %dma_start3A_67 = arith.constant 0 : i32
      %dma_start3A_68 = tpu.memref_slice %arg2[%run_scoped3A_25, %dma_start3A_64, %dma_start3A_65, %dma_start3A_66, %dma_start3A_67] : memref<2x2x16x125x80xi32, #tpu.memory_space<hbm>> -> memref<1x2x16x125x80xi32, #tpu.memory_space<hbm>>
      %dma_start3A_69 = tpu.memref_squeeze %dma_start3A_68 : memref<1x2x16x125x80xi32, #tpu.memory_space<hbm>> -> memref<2x16x125x80xi32, #tpu.memory_space<hbm>>
      %dma_start3A_70 = arith.constant 0 : i32
      %dma_start3A_71 = arith.constant 0 : i32
      %dma_start3A_72 = arith.constant 0 : i32
      %dma_start3A_73 = tpu.memref_slice %dma_start3A_69[%arg0, %dma_start3A_70, %dma_start3A_71, %dma_start3A_72] : memref<2x16x125x80xi32, #tpu.memory_space<hbm>> -> memref<1x16x125x80xi32, #tpu.memory_space<hbm>>
      %dma_start3A_74 = tpu.memref_squeeze %dma_start3A_73 : memref<1x16x125x80xi32, #tpu.memory_space<hbm>> -> memref<16x125x80xi32, #tpu.memory_space<hbm>>
      %dma_start3A_75 = arith.constant 0 : i32
      %dma_start3A_76 = arith.constant 0 : i32
      %dma_start3A_77 = tpu.memref_slice %dma_start3A_74[%arg1, %dma_start3A_75, %dma_start3A_76] : memref<16x125x80xi32, #tpu.memory_space<hbm>> -> memref<1x125x80xi32, #tpu.memory_space<hbm>>
      %dma_start3A_78 = tpu.memref_squeeze %dma_start3A_77 : memref<1x125x80xi32, #tpu.memory_space<hbm>> -> memref<125x80xi32, #tpu.memory_space<hbm>>
      %dma_start3A_79 = arith.constant 124 : i32
      %dma_start3A_80 = arith.constant 0 : i32
      %dma_start3A_81 = tpu.memref_slice %dma_start3A_78[%dma_start3A_79, %dma_start3A_80] : memref<125x80xi32, #tpu.memory_space<hbm>> -> memref<1x80xi32, #tpu.memory_space<hbm>>
      tpu.enqueue_dma source(%dma_start3A_81 : memref<1x80xi32, #tpu.memory_space<hbm>>) target(%dma_start3A_63 : memref<1x80xi32, #tpu.memory_space<vmem>>) target_semaphore(%run_scoped3A_40 : memref<!tpu.dma_semaphore, #tpu.memory_space<semaphore_mem>>)
      %dma_wait3A = arith.constant 0 : i32
      %dma_wait3A_82 = arith.constant 0 : i32
      %dma_wait3A_83 = tpu.memref_slice %arg7[%dma_wait3A, %dma_wait3A_82] : memref<62x80xi32, #tpu.memory_space<vmem>> -> memref<1x80xi32, #tpu.memory_space<vmem>>
      %dma_wait3A_84 = arith.constant 0 : i32
      %dma_wait3A_85 = arith.constant 0 : i32
      %dma_wait3A_86 = arith.constant 0 : i32
      %dma_wait3A_87 = arith.constant 0 : i32
      %dma_wait3A_88 = tpu.memref_slice %arg2[%run_scoped3A_25, %dma_wait3A_84, %dma_wait3A_85, %dma_wait3A_86, %dma_wait3A_87] : memref<2x2x16x125x80xi32, #tpu.memory_space<hbm>> -> memref<1x2x16x125x80xi32, #tpu.memory_space<hbm>>
      %dma_wait3A_89 = tpu.memref_squeeze %dma_wait3A_88 : memref<1x2x16x125x80xi32, #tpu.memory_space<hbm>> -> memref<2x16x125x80xi32, #tpu.memory_space<hbm>>
      %dma_wait3A_90 = arith.constant 0 : i32
      %dma_wait3A_91 = arith.constant 0 : i32
      %dma_wait3A_92 = arith.constant 0 : i32
      %dma_wait3A_93 = tpu.memref_slice %dma_wait3A_89[%arg0, %dma_wait3A_90, %dma_wait3A_91, %dma_wait3A_92] : memref<2x16x125x80xi32, #tpu.memory_space<hbm>> -> memref<1x16x125x80xi32, #tpu.memory_space<hbm>>
      %dma_wait3A_94 = tpu.memref_squeeze %dma_wait3A_93 : memref<1x16x125x80xi32, #tpu.memory_space<hbm>> -> memref<16x125x80xi32, #tpu.memory_space<hbm>>
      %dma_wait3A_95 = arith.constant 0 : i32
      %dma_wait3A_96 = arith.constant 0 : i32
      %dma_wait3A_97 = tpu.memref_slice %dma_wait3A_94[%arg1, %dma_wait3A_95, %dma_wait3A_96] : memref<16x125x80xi32, #tpu.memory_space<hbm>> -> memref<1x125x80xi32, #tpu.memory_space<hbm>>
      %dma_wait3A_98 = tpu.memref_squeeze %dma_wait3A_97 : memref<1x125x80xi32, #tpu.memory_space<hbm>> -> memref<125x80xi32, #tpu.memory_space<hbm>>
      %dma_wait3A_99 = arith.constant 124 : i32
      %dma_wait3A_100 = arith.constant 0 : i32
      %dma_wait3A_101 = tpu.memref_slice %dma_wait3A_98[%dma_wait3A_99, %dma_wait3A_100] : memref<125x80xi32, #tpu.memory_space<hbm>> -> memref<1x80xi32, #tpu.memory_space<hbm>>
      %dma_wait3A_102 = arith.constant 0 : i32
      %dma_wait3A_103 = arith.constant 0 : i32
      %dma_wait3A_104 = tpu.memref_slice %arg7[%dma_wait3A_102, %dma_wait3A_103] : memref<62x80xi32, #tpu.memory_space<vmem>> -> memref<1x80xi32, #tpu.memory_space<vmem>>
      %dma_wait3A_105 = arith.constant 0 : i32
      %dma_wait3A_106 = arith.constant 0 : i32
      %dma_wait3A_107 = arith.constant 0 : i32
      %dma_wait3A_108 = arith.constant 0 : i32
      %dma_wait3A_109 = tpu.memref_slice %arg2[%run_scoped3A_25, %dma_wait3A_105, %dma_wait3A_106, %dma_wait3A_107, %dma_wait3A_108] : memref<2x2x16x125x80xi32, #tpu.memory_space<hbm>> -> memref<1x2x16x125x80xi32, #tpu.memory_space<hbm>>
      %dma_wait3A_110 = tpu.memref_squeeze %dma_wait3A_109 : memref<1x2x16x125x80xi32, #tpu.memory_space<hbm>> -> memref<2x16x125x80xi32, #tpu.memory_space<hbm>>
      %dma_wait3A_111 = arith.constant 0 : i32
      %dma_wait3A_112 = arith.constant 0 : i32
      %dma_wait3A_113 = arith.constant 0 : i32
      %dma_wait3A_114 = tpu.memref_slice %dma_wait3A_110[%arg0, %dma_wait3A_111, %dma_wait3A_112, %dma_wait3A_113] : memref<2x16x125x80xi32, #tpu.memory_space<hbm>> -> memref<1x16x125x80xi32, #tpu.memory_space<hbm>>
      %dma_wait3A_115 = tpu.memref_squeeze %dma_wait3A_114 : memref<1x16x125x80xi32, #tpu.memory_space<hbm>> -> memref<16x125x80xi32, #tpu.memory_space<hbm>>
      %dma_wait3A_116 = arith.constant 0 : i32
      %dma_wait3A_117 = arith.constant 0 : i32
      %dma_wait3A_118 = tpu.memref_slice %dma_wait3A_115[%arg1, %dma_wait3A_116, %dma_wait3A_117] : memref<16x125x80xi32, #tpu.memory_space<hbm>> -> memref<1x125x80xi32, #tpu.memory_space<hbm>>
      %dma_wait3A_119 = tpu.memref_squeeze %dma_wait3A_118 : memref<1x125x80xi32, #tpu.memory_space<hbm>> -> memref<125x80xi32, #tpu.memory_space<hbm>>
      %dma_wait3A_120 = arith.constant 124 : i32
      %dma_wait3A_121 = arith.constant 0 : i32
      %dma_wait3A_122 = tpu.memref_slice %dma_wait3A_119[%dma_wait3A_120, %dma_wait3A_121] : memref<125x80xi32, #tpu.memory_space<hbm>> -> memref<1x80xi32, #tpu.memory_space<hbm>>
      tpu.wait_dma2 semaphore(%run_scoped3A_40 : memref<!tpu.dma_semaphore, #tpu.memory_space<semaphore_mem>>) src(%dma_wait3A_122 : memref<1x80xi32, #tpu.memory_space<hbm>>) dst(%dma_wait3A_104 : memref<1x80xi32, #tpu.memory_space<vmem>>)
      tpu.yield
    }) : () -> ()
    %scan3A_26 = arith.constant 0 : i32
    %mul3A_27 = arith.constant 1 : i32
    %mul3A_28 = arith.muli %scan3A_26, %mul3A_27 : i32
    %add3A_29 = arith.constant 0 : i32
    %add3A_30 = arith.addi %add3A_29, %mul3A_28 : i32
    "tpu.region"() ({
      %run_scoped3A_40 = tpu.sem_alloc : memref<!tpu.dma_semaphore, #tpu.memory_space<semaphore_mem>>
      %dma_start3A = arith.constant 0 : i32
      %dma_start3A_41 = tpu.memref_slice %arg6[%add3A_30, %dma_start3A] : memref<62x80xi32, #tpu.memory_space<vmem>> -> memref<1x80xi32, #tpu.memory_space<vmem>>
      %dma_start3A_42 = tpu.memref_squeeze %dma_start3A_41 : memref<1x80xi32, #tpu.memory_space<vmem>> -> memref<80xi32, #tpu.memory_space<vmem>>
      %dma_start3A_43 = arith.constant 0 : i32
      %dma_start3A_44 = arith.constant 0 : i32
      %dma_start3A_45 = tpu.memref_slice %arg3[%dma_start3A_43, %dma_start3A_44] : memref<10000x144xf32, #tpu.memory_space<hbm>> -> memref<10000x144xf32, #tpu.memory_space<hbm>>
      tpu.enqueue_indirect_dma source(%dma_start3A_45 : memref<10000x144xf32, #tpu.memory_space<hbm>>) target(%arg8 : memref<80x144xf32, #tpu.memory_space<vmem>>) offsets(%dma_start3A_42 : memref<80xi32, #tpu.memory_space<vmem>>) semaphore(%run_scoped3A_40 : memref<!tpu.dma_semaphore, #tpu.memory_space<semaphore_mem>>)
      %dma_wait3A = arith.constant 0 : i32
      %dma_wait3A_46 = tpu.memref_slice %arg6[%add3A_30, %dma_wait3A] : memref<62x80xi32, #tpu.memory_space<vmem>> -> memref<1x80xi32, #tpu.memory_space<vmem>>
      %dma_wait3A_47 = tpu.memref_squeeze %dma_wait3A_46 : memref<1x80xi32, #tpu.memory_space<vmem>> -> memref<80xi32, #tpu.memory_space<vmem>>
      %dma_wait3A_48 = arith.constant 0 : i32
      %dma_wait3A_49 = arith.constant 0 : i32
      %dma_wait3A_50 = tpu.memref_slice %arg3[%dma_wait3A_48, %dma_wait3A_49] : memref<10000x144xf32, #tpu.memory_space<hbm>> -> memref<10000x144xf32, #tpu.memory_space<hbm>>
      tpu.wait_indirect_dma semaphore(%run_scoped3A_40 : memref<!tpu.dma_semaphore, #tpu.memory_space<semaphore_mem>>) src(%dma_wait3A_50 : memref<10000x144xf32, #tpu.memory_space<hbm>>) dst(%arg8 : memref<80x144xf32, #tpu.memory_space<vmem>>)
      tpu.yield
    }) : () -> ()
    "tpu.region"() ({
      %run_scoped3A_40 = tpu.sem_alloc : memref<!tpu.dma_semaphore, #tpu.memory_space<semaphore_mem>>
      %dma_start3A = arith.constant 0 : i32
      %dma_start3A_41 = tpu.memref_slice %arg7[%add3A_30, %dma_start3A] : memref<62x80xi32, #tpu.memory_space<vmem>> -> memref<1x80xi32, #tpu.memory_space<vmem>>
      %dma_start3A_42 = tpu.memref_squeeze %dma_start3A_41 : memref<1x80xi32, #tpu.memory_space<vmem>> -> memref<80xi32, #tpu.memory_space<vmem>>
      %dma_start3A_43 = arith.constant 0 : i32
      %dma_start3A_44 = arith.constant 0 : i32
      %dma_start3A_45 = tpu.memref_slice %arg10[%dma_start3A_43, %dma_start3A_44] : memref<10000x144xf32, #tpu.memory_space<vmem_shared>> -> memref<10000x144xf32, #tpu.memory_space<vmem_shared>>
      tpu.enqueue_indirect_dma source(%arg8 : memref<80x144xf32, #tpu.memory_space<vmem>>) target(%dma_start3A_45 : memref<10000x144xf32, #tpu.memory_space<vmem_shared>>) offsets(%dma_start3A_42 : memref<80xi32, #tpu.memory_space<vmem>>) semaphore(%run_scoped3A_40 : memref<!tpu.dma_semaphore, #tpu.memory_space<semaphore_mem>>) {add = true}
      %dma_wait3A = arith.constant 0 : i32
      %dma_wait3A_46 = tpu.memref_slice %arg7[%add3A_30, %dma_wait3A] : memref<62x80xi32, #tpu.memory_space<vmem>> -> memref<1x80xi32, #tpu.memory_space<vmem>>
      %dma_wait3A_47 = tpu.memref_squeeze %dma_wait3A_46 : memref<1x80xi32, #tpu.memory_space<vmem>> -> memref<80xi32, #tpu.memory_space<vmem>>
      %dma_wait3A_48 = arith.constant 0 : i32
      %dma_wait3A_49 = arith.constant 0 : i32
      %dma_wait3A_50 = tpu.memref_slice %arg10[%dma_wait3A_48, %dma_wait3A_49] : memref<10000x144xf32, #tpu.memory_space<vmem_shared>> -> memref<10000x144xf32, #tpu.memory_space<vmem_shared>>
      tpu.wait_indirect_dma semaphore(%run_scoped3A_40 : memref<!tpu.dma_semaphore, #tpu.memory_space<semaphore_mem>>) src(%arg8 : memref<80x144xf32, #tpu.memory_space<vmem>>) dst(%dma_wait3A_50 : memref<10000x144xf32, #tpu.memory_space<vmem_shared>>)
      tpu.yield
    }) : () -> ()
    %scan3A_31 = arith.constant 1 : i32
    %barrier3A_32 = arith.constant 0 : index
    tpu.barrier barrier_id(%barrier3A_32)
    %eq3A = arith.constant 0 : i32
    %eq3A_33 = arith.cmpi eq, %arg0, %eq3A : i32
    %convert_element_type3A = arith.extui %eq3A_33 : i1 to i32
    %cond3A = arith.constant 0 : i32
    %cond3A_34 = arith.cmpi ne, %convert_element_type3A, %cond3A : i32
    scf.if %cond3A_34 {
      "tpu.region"() ({
        %run_scoped3A_40 = tpu.sem_alloc : memref<!tpu.dma_semaphore, #tpu.memory_space<semaphore_mem>>
        %dma_start3A = arith.constant 0 : i32
        %dma_start3A_41 = tpu.memref_slice %arg4[%mul3A_0, %dma_start3A] : memref<10000x144xf32, #tpu.memory_space<hbm>> -> memref<625x144xf32, #tpu.memory_space<hbm>>
        %dma_start3A_42 = arith.constant 0 : i32
        %dma_start3A_43 = tpu.memref_slice %arg10[%mul3A_0, %dma_start3A_42] : memref<10000x144xf32, #tpu.memory_space<vmem_shared>> -> memref<625x144xf32, #tpu.memory_space<vmem_shared>>
        tpu.enqueue_dma source(%dma_start3A_43 : memref<625x144xf32, #tpu.memory_space<vmem_shared>>) target(%dma_start3A_41 : memref<625x144xf32, #tpu.memory_space<hbm>>) target_semaphore(%run_scoped3A_40 : memref<!tpu.dma_semaphore, #tpu.memory_space<semaphore_mem>>)
        %dma_wait3A = arith.constant 0 : i32
        %dma_wait3A_44 = tpu.memref_slice %arg4[%mul3A_0, %dma_wait3A] : memref<10000x144xf32, #tpu.memory_space<hbm>> -> memref<625x144xf32, #tpu.memory_space<hbm>>
        %dma_wait3A_45 = arith.constant 0 : i32
        %dma_wait3A_46 = tpu.memref_slice %arg10[%mul3A_0, %dma_wait3A_45] : memref<10000x144xf32, #tpu.memory_space<vmem_shared>> -> memref<625x144xf32, #tpu.memory_space<vmem_shared>>
        tpu.wait_dma2 semaphore(%run_scoped3A_40 : memref<!tpu.dma_semaphore, #tpu.memory_space<semaphore_mem>>) src(%dma_wait3A_46 : memref<625x144xf32, #tpu.memory_space<vmem_shared>>) dst(%dma_wait3A_44 : memref<625x144xf32, #tpu.memory_space<hbm>>)
        tpu.yield
      }) : () -> ()
    } else {
    }
    %eq3A_35 = arith.constant 1 : i32
    %eq3A_36 = arith.cmpi eq, %arg0, %eq3A_35 : i32
    %convert_element_type3A_37 = arith.extui %eq3A_36 : i1 to i32
    %cond3A_38 = arith.constant 0 : i32
    %cond3A_39 = arith.cmpi ne, %convert_element_type3A_37, %cond3A_38 : i32
    scf.if %cond3A_39 {
      "tpu.region"() ({
        %run_scoped3A_40 = tpu.sem_alloc : memref<!tpu.dma_semaphore, #tpu.memory_space<semaphore_mem>>
        %dma_start3A = arith.constant 0 : i32
        %dma_start3A_41 = tpu.memref_slice %arg5[%mul3A_0, %dma_start3A] : memref<10000x144xf32, #tpu.memory_space<hbm>> -> memref<625x144xf32, #tpu.memory_space<hbm>>
        %dma_start3A_42 = arith.constant 0 : i32
        %dma_start3A_43 = tpu.memref_slice %arg10[%mul3A_0, %dma_start3A_42] : memref<10000x144xf32, #tpu.memory_space<vmem_shared>> -> memref<625x144xf32, #tpu.memory_space<vmem_shared>>
        tpu.enqueue_dma source(%dma_start3A_43 : memref<625x144xf32, #tpu.memory_space<vmem_shared>>) target(%dma_start3A_41 : memref<625x144xf32, #tpu.memory_space<hbm>>) target_semaphore(%run_scoped3A_40 : memref<!tpu.dma_semaphore, #tpu.memory_space<semaphore_mem>>)
        %dma_wait3A = arith.constant 0 : i32
        %dma_wait3A_44 = tpu.memref_slice %arg5[%mul3A_0, %dma_wait3A] : memref<10000x144xf32, #tpu.memory_space<hbm>> -> memref<625x144xf32, #tpu.memory_space<hbm>>
        %dma_wait3A_45 = arith.constant 0 : i32
        %dma_wait3A_46 = tpu.memref_slice %arg10[%mul3A_0, %dma_wait3A_45] : memref<10000x144xf32, #tpu.memory_space<vmem_shared>> -> memref<625x144xf32, #tpu.memory_space<vmem_shared>>
        tpu.wait_dma2 semaphore(%run_scoped3A_40 : memref<!tpu.dma_semaphore, #tpu.memory_space<semaphore_mem>>) src(%dma_wait3A_46 : memref<625x144xf32, #tpu.memory_space<vmem_shared>>) dst(%dma_wait3A_44 : memref<625x144xf32, #tpu.memory_space<hbm>>)
        tpu.yield
      }) : () -> ()
    } else {
    }
    return
  }
}

module attributes {stable_mosaic.version = 14 : i64} {
  func.func @_prep_body(%arg0: memref<10000x128xf32, #tpu.memory_space<vmem>>, %arg1: memref<10000x1xf32, #tpu.memory_space<vmem>>, %arg2: memref<128x128xf32, #tpu.memory_space<vmem>>, %arg3: memref<128x144xf32, #tpu.memory_space<vmem>>, %arg4: memref<10000x144xf32, #tpu.memory_space<vmem>>) attributes {dimension_semantics = [], scalar_prefetch = 0 : i64, scratch_operands = 0 : i64, tpu.core_type = #tpu.core_type<tc>} {
    %get3A = arith.constant 0 : index
    %get3A_0 = arith.constant 0 : index
    %get3A_1 = vector.load %arg0[%get3A, %get3A_0] : memref<10000x128xf32, #tpu.memory_space<vmem>>, vector<10000x128xf32>
    %get3A_2 = arith.constant 0 : index
    %get3A_3 = arith.constant 0 : index
    %get3A_4 = vector.load %arg1[%get3A_2, %get3A_3] : memref<10000x1xf32, #tpu.memory_space<vmem>>, vector<10000x1xf32>
    %mul3A = vector.broadcast %get3A_4 : vector<10000x1xf32> to vector<10000x128xf32>
    %mul3A_5 = arith.mulf %get3A_1, %mul3A : vector<10000x128xf32>
    %get3A_6 = arith.constant 0 : index
    %get3A_7 = arith.constant 0 : index
    %get3A_8 = vector.load %arg2[%get3A_6, %get3A_7] : memref<128x128xf32, #tpu.memory_space<vmem>>, vector<128x128xf32>
    %dot_general3A = arith.constant dense<0.000000e+00> : vector<10000x128xf32>
    %dot_general3A_9 = tpu.matmul %mul3A_5, %get3A_8, %dot_general3A {dimension_numbers = #tpu.dot_dimension_numbers<[1], [0], [0], [1], [0, 0, 1, 1], [], []>, transpose_lhs_hint = false} : vector<10000x128xf32>, vector<128x128xf32>, vector<10000x128xf32> -> vector<10000x128xf32>
    %get3A_10 = arith.constant 0 : index
    %get3A_11 = arith.constant 0 : index
    %get3A_12 = vector.load %arg3[%get3A_10, %get3A_11] : memref<128x144xf32, #tpu.memory_space<vmem>>, vector<128x144xf32>
    %dot_general3A_13 = arith.constant dense<0.000000e+00> : vector<10000x144xf32>
    %dot_general3A_14 = tpu.matmul %dot_general3A_9, %get3A_12, %dot_general3A_13 {dimension_numbers = #tpu.dot_dimension_numbers<[1], [0], [0], [1], [0, 0, 1, 1], [], []>, transpose_lhs_hint = false} : vector<10000x128xf32>, vector<128x144xf32>, vector<10000x144xf32> -> vector<10000x144xf32>
    %broadcast_in_dim3A = arith.constant 1.000000e+00 : f32
    %broadcast_in_dim3A_15 = vector.broadcast %broadcast_in_dim3A : f32 to vector<10000x4xf32>
    %broadcast_in_dim3A_16 = arith.constant 0.000000e+00 : f32
    %broadcast_in_dim3A_17 = vector.broadcast %broadcast_in_dim3A_16 : f32 to vector<10000x12xf32>
    %concatenate3A = tpu.concatenate %dot_general3A_9, %broadcast_in_dim3A_15, %broadcast_in_dim3A_17 in 1 : vector<10000x128xf32>, vector<10000x4xf32>, vector<10000x12xf32> -> vector<10000x144xf32>
    %exp3A = math.exp %dot_general3A_14 : vector<10000x144xf32>
    %mul3A_18 = arith.mulf %concatenate3A, %exp3A : vector<10000x144xf32>
    %swap3A = arith.constant 0 : index
    %swap3A_19 = arith.constant 0 : index
    %swap3A_20 = vector.load %arg4[%swap3A, %swap3A_19] : memref<10000x144xf32, #tpu.memory_space<vmem>>, vector<10000x144xf32>
    tpu.vector_store %arg4[%swap3A, %swap3A_19], %mul3A_18 {strides = array<i32>} : memref<10000x144xf32, #tpu.memory_space<vmem>>, vector<10000x144xf32>,
    return
  }
}

module attributes {stable_mosaic.version = 14 : i64} {
  func.func @_fin_body(%arg0: memref<10000x144xf32, #tpu.memory_space<vmem>>, %arg1: memref<10000x144xf32, #tpu.memory_space<vmem>>, %arg2: memref<10000x128xf32, #tpu.memory_space<vmem>>, %arg3: memref<10000x1xf32, #tpu.memory_space<vmem>>, %arg4: memref<16x128xf32, #tpu.memory_space<vmem>>, %arg5: memref<10000x128xf32, #tpu.memory_space<vmem>>) attributes {dimension_semantics = [], scalar_prefetch = 0 : i64, scratch_operands = 0 : i64, tpu.core_type = #tpu.core_type<tc>} {
    %get3A = arith.constant 0 : index
    %get3A_0 = arith.constant 0 : index
    %get3A_1 = vector.load %arg0[%get3A, %get3A_0] : memref<10000x144xf32, #tpu.memory_space<vmem>>, vector<10000x144xf32>
    %get3A_2 = arith.constant 0 : index
    %get3A_3 = arith.constant 0 : index
    %get3A_4 = vector.load %arg1[%get3A_2, %get3A_3] : memref<10000x144xf32, #tpu.memory_space<vmem>>, vector<10000x144xf32>
    %add3A = arith.addf %get3A_1, %get3A_4 : vector<10000x144xf32>
    %slice3A = vector.extract_strided_slice %add3A {offsets = [0, 0], sizes = [10000, 128], strides = [1, 1]} : vector<10000x144xf32> to vector<10000x128xf32>
    %slice3A_5 = vector.extract_strided_slice %add3A {offsets = [0, 128], sizes = [10000, 16], strides = [1, 1]} : vector<10000x144xf32> to vector<10000x16xf32>
    %get3A_6 = arith.constant 0 : index
    %get3A_7 = arith.constant 0 : index
    %get3A_8 = vector.load %arg4[%get3A_6, %get3A_7] : memref<16x128xf32, #tpu.memory_space<vmem>>, vector<16x128xf32>
    %dot_general3A = arith.constant dense<0.000000e+00> : vector<10000x128xf32>
    %dot_general3A_9 = tpu.matmul %slice3A_5, %get3A_8, %dot_general3A {dimension_numbers = #tpu.dot_dimension_numbers<[1], [0], [0], [1], [0, 0, 1, 1], [], []>, transpose_lhs_hint = false} : vector<10000x16xf32>, vector<16x128xf32>, vector<10000x128xf32> -> vector<10000x128xf32>
    %get3A_10 = arith.constant 0 : index
    %get3A_11 = arith.constant 0 : index
    %get3A_12 = vector.load %arg2[%get3A_10, %get3A_11] : memref<10000x128xf32, #tpu.memory_space<vmem>>, vector<10000x128xf32>
    %get3A_13 = arith.constant 0 : index
    %get3A_14 = arith.constant 0 : index
    %get3A_15 = vector.load %arg3[%get3A_13, %get3A_14] : memref<10000x1xf32, #tpu.memory_space<vmem>>, vector<10000x1xf32>
    %mul3A = vector.broadcast %get3A_15 : vector<10000x1xf32> to vector<10000x128xf32>
    %mul3A_16 = arith.mulf %mul3A, %slice3A : vector<10000x128xf32>
    %max3A = arith.constant 1.000000e-16 : f32
    %max3A_17 = vector.broadcast %max3A : f32 to vector<10000x128xf32>
    %max3A_18 = arith.maximumf %dot_general3A_9, %max3A_17 : vector<10000x128xf32>
    %div3A = arith.divf %mul3A_16, %max3A_18 : vector<10000x128xf32>
    %add3A_19 = arith.addf %get3A_12, %div3A : vector<10000x128xf32>
    %swap3A = arith.constant 0 : index
    %swap3A_20 = arith.constant 0 : index
    %swap3A_21 = vector.load %arg5[%swap3A, %swap3A_20] : memref<10000x128xf32, #tpu.memory_space<vmem>>, vector<10000x128xf32>
    tpu.vector_store %arg5[%swap3A, %swap3A_20], %add3A_19 {strides = array<i32>} : memref<10000x128xf32, #tpu.memory_space<vmem>>, vector<10000x128xf32>,
    return
  }
}

</mosaic_0001>

<sc_bundles>
// kernel: kernel.5.cloned.1.call-start
scs
__scs_entry_jumppad:
0x0: {  	(pc) =	sbr.rel $0x88, $3  }
0x1: {  	(tag) =	ssettag $0x0;
	lr =	simm.s32 $0x1  }
0x2: {  	[smem:$0x3F9B] =	sst lr;
	_ =	strace $0xD0000000  }
0x3: {  	_ = 	snop  }
0x4: {  	_ = 	snop  }
0x5: {  	_ = 	snop  }
0x6: {  	_ = 	snop  }
0x7: {  	_ = 	snop  }
__scs_overlays_trampoline_lowered:
0x8: {  	[smem:$0x3FAA] =	sst s0  }
0x9: {  	[smem:$0x3FAB] =	sst s1  }
0xa: {  	[smem:$0x3FAC] =	sst s2  }
0xb: {  	[smem:$0x3FAD] =	sst s3  }
0xc: {  	[smem:$0x3FAE] =	sst s4  }
0xd: {  	[smem:$0x3FAF] =	sst s5  }
0xe: {  	[smem:$0x3FB0] =	sst s6  }
0xf: {  	[smem:$0x3FB1] =	sst s7  }
0x10: {  	[smem:$0x3FB2] =	sst s8  }
0x11: {  	[smem:$0x3FB3] =	sst s9;
	s0 =	simm.s32 @!p0 $0x0  }
0x12: {  	s1 =	sld [smem:$0x3F99];
	s0 =	simm.s32 @p0 $0x1  }
0x13: {  	[smem:$0x3FB4] =	sst s0;
	s0 =	simm.s32 @!p1 $0x0  }
0x14: {  	s2 =	sld [smem:$0x3F98];
	s0 =	simm.s32 @p1 $0x1  }
0x15: {  	[smem:$0x3FB5] =	sst s0;
	s0 =	simm.s32 @!p2 $0x0  }
0x16: {  	s3 =	sld [smem:$0x3FDB];
	s0 =	simm.s32 @p2 $0x1  }
0x17: {  	s4 =	simm.s32 $0x1BF5;
	[smem:$0x3FB7] =	sst s0  }
0x18: {  	s0 =	sld [smem:$0x3F9A];
	_ =	swait.ge [sflag:s4], $0x0  }
0x19: {  	s7 =	sld [smem:$0x3F9B]  }
0x1a: {  	s8 =	sadd.s32 $0xFFFFE003, lr  }
0x1b: {  	s9 =	sadd.s32 $0xFFFFFEF7, lr;
	s5 =	simm.s32 $0xFFFFFFFF;
	p2 =	slt.u32 s8, $0xFFFFF086  }
0x1c: {  	p1 =	slt.u32 s9, $0xF7A;
	s5 =	simm.s32 @!p2 $0x0  }
0x1d: {  	s5 =	simm.s32 @p1 $0x1;
	p0 =	seq.s32 s7, s2  }
0x1e: {  	s7 =	smul.u32 @!p0 $0xF7A, s2;
	p2 =	seq.s32 @!p0 s5, $0x0  }
0x1f: {  	s9 =	smul.u32 $0xF7A, s1;
	s8 =	simm.s32 @!p0 $0x1BF5;
	p2 =	por !p2, p0  }
0x20: {  	[sflag:s8] =	ssyncset.s32 @!p0 $0xFFFFF086;
	s6 =	sadd.s32 @!p0 s3, s7;
	s7 =	simm.s32 @!p0 $0x108  }
0x21: {  	s3 =	sadd.s32 s3, s9;
	s6 =	sadd.s32 @!p0 $0x88, s6;
	s7 =	simm.s32 @p2 $0x1082  }
0x22: {  	[simem:s7], [sflag:s8] =	dma.local @!p0 [hbm:s6], $0xF7A  }
0x23: {  	s9 =	sor.u32 $0xD0000000, s2;
	s6 =	simm.s32 $0x108;
	_ =	swait.ge @!p0 [sflag:s8], $0x0  }
0x24: {  	s3 =	sadd.s32 $0x88, s3;
	s6 =	simm.s32 @!p1 $0x1082;
	[sflag:s4] =	ssyncset.s32 $0xFFFFF086  }
0x25: {  	[simem:s6], [sflag:s4] =	dma.local [hbm:s3], $0xF7A  }
0x26: {  	[smem:$0x3F9B] =	sst s1;
	(tag) =	ssettag s2;
	_ =	strace s9  }
0x27: {  	s1 =	sld [smem:$0x3FAB]  }
0x28: {  	s2 =	sld [smem:$0x3FAC]  }
0x29: {  	s4 =	sld [smem:$0x3FAE]  }
0x2a: {  	p0 =	seq.s32 s5, $0x0;
	s5 =	sld [smem:$0x3FAF]  }
0x2b: {  	s6 =	sld [smem:$0x3FB0]  }
0x2c: {  	s7 =	sld [smem:$0x3FB1]  }
0x2d: {  	s3 =	simm.s32 $0x108;
	s8 =	sld [smem:$0x3FB2]  }
0x2e: {  	s3 =	simm.s32 @!p0 $0x1082;
	s9 =	sld [smem:$0x3FB3]  }
0x2f: {  	lr =	sadd.s32 s0, s3;
	s0 =	sld [smem:$0x3FAA]  }
0x30: {  	s3 =	sld [smem:$0x3FAD]  }
0x31: {  	[smem:$0x3FB6] =	sst s10  }
0x32: {  	s10 =	sld [smem:$0x3FB4];
	_ =	sdelay $0x3  }
0x33: {  	p0 =	seq.s32 s10, $0x1;
	s10 =	sld [smem:$0x3FB6];
	_ =	sdelay $0x3  }
0x34: {  	[smem:$0x3FB6] =	sst s10  }
0x35: {  	s10 =	sld [smem:$0x3FB5];
	_ =	sdelay $0x3  }
0x36: {  	p1 =	seq.s32 s10, $0x1;
	s10 =	sld [smem:$0x3FB6];
	_ =	sdelay $0x3  }
0x37: {  	[smem:$0x3FB6] =	sst s10  }
0x38: {  	s10 =	sld [smem:$0x3FB7]  }
0x39: {  	_ = 	snop;
	(pc) =	sbr.ind lr, $3  }
0x3a: {  	_ = 	snop  }
0x3b: {  	_ = 	snop  }
0x3c: {  	p2 =	seq.s32 s10, $0x1;
	s10 =	sld [smem:$0x3FB6]  }
0x3d: {  	_ =	shalt  }
0x3e: {  	_ =	shalt  }
0x3f: {  	_ =	shalt  }
0x40: {  	_ =	shalt  }
0x41: {  	_ =	shalt  }
0x42: {  	_ =	shalt  }
0x43: {  	_ =	shalt  }
0x44: {  	_ =	shalt  }
0x45: {  	_ =	shalt  }
0x46: {  	_ =	shalt  }
0x47: {  	_ =	shalt  }
0x48: {  	_ =	shalt  }
0x49: {  	_ =	shalt  }
0x4a: {  	_ =	shalt  }
0x4b: {  	_ =	shalt  }
0x4c: {  	_ =	shalt  }
0x4d: {  	_ =	shalt  }
0x4e: {  	_ =	shalt  }
0x4f: {  	_ =	shalt  }
0x50: {  	_ =	shalt  }
0x51: {  	_ =	shalt  }
0x52: {  	_ =	shalt  }
0x53: {  	_ =	shalt  }
0x54: {  	_ =	shalt  }
0x55: {  	_ =	shalt  }
0x56: {  	_ =	shalt  }
0x57: {  	_ =	shalt  }
0x58: {  	_ =	shalt  }
0x59: {  	_ =	shalt  }
0x5a: {  	_ =	shalt  }
0x5b: {  	_ =	shalt  }
0x5c: {  	_ =	shalt  }
0x5d: {  	_ =	shalt  }
0x5e: {  	_ =	shalt  }
0x5f: {  	_ =	shalt  }
0x60: {  	_ =	shalt  }
0x61: {  	_ =	shalt  }
0x62: {  	_ =	shalt  }
0x63: {  	_ =	shalt  }
0x64: {  	_ =	shalt  }
0x65: {  	_ =	shalt  }
0x66: {  	_ =	shalt  }
0x67: {  	_ =	shalt  }
0x68: {  	_ =	shalt  }
0x69: {  	_ =	shalt  }
0x6a: {  	_ =	shalt  }
0x6b: {  	_ =	shalt  }
0x6c: {  	_ =	shalt  }
0x6d: {  	_ =	shalt  }
0x6e: {  	_ =	shalt  }
0x6f: {  	_ =	shalt  }
0x70: {  	_ =	shalt  }
0x71: {  	_ =	shalt  }
0x72: {  	_ =	shalt  }
0x73: {  	_ =	shalt  }
0x74: {  	_ =	shalt  }
0x75: {  	_ =	shalt  }
0x76: {  	_ =	shalt  }
0x77: {  	_ =	shalt  }
0x78: {  	_ =	shalt  }
0x79: {  	_ =	shalt  }
0x7a: {  	_ =	shalt  }
0x7b: {  	_ =	shalt  }
0x7c: {  	_ =	shalt  }
0x7d: {  	_ =	shalt  }
0x7e: {  	_ =	shalt  }
0x7f: {  	_ =	shalt  }
0x80: {  	_ =	shalt  }
0x81: {  	_ =	shalt  }
0x82: {  	_ =	shalt  }
0x83: {  	_ =	shalt  }
0x84: {  	_ =	shalt  }
0x85: {  	_ =	shalt  }
0x86: {  	_ =	shalt  }
0x87: {  	_ =	shalt  }
.Lfunc_end0:
.L_simem_size_0:
called_computation_lowered:
.L_overlay_start_0:
0x88: {  	s2 =	sld [smem:$0x3FD9]  }
0x89: {  	s3 =	sld [smem:$0x3FFE];
	_ =	sdelay $0x1  }
0x8a: {  	s1 =	srdreg.scid  }
0x8b: {  	s0 =	sand.u32 $0x1, s1  }
0x8c: {  	s14 =	sshll.u32 s0, $0xA;
	s2 =	sadd.s32 s3, s2  }
0x8d: {  	s2 =	sadd.s32 s2, s14  }
0x8e: {  	[smem:$0x3FC2] =	sst s2  }
0x8f: {  	_ = 	snop  }
0x90: {  	s2 =	sld [smem:$0x3FD0];
	_ =	sdelay $0x2  }
0x91: {  	s15 =	simm.s32 $0xA;
	s4 =	simm.s32 $0x10  }
0x92: {  	[smem:s4], [sflag:s15] =	dma.local [hbm:s2], $0x1  }
0x93: {  	_ =	swait.eq [sflag:s15], $0x1  }
0x94: {  	[sflag:s15] =	ssyncset.done $0x0  }
0x95: {  	s16 =	sld [smem:$0x10];
	[sflag:s15] =	ssyncadd.s32 $0xFFFFFFFF  }
0x96: {  	s17 =	sld [smem:$0x11];
	(tm) =	ssettm $0x1  }
0x97: {  	s18 =	sld [smem:$0x3FFB];
	_ =	sdelay $0x3  }
0x98: {  	_ =	strace s18  }
0x99: {  	s4 =	sld [smem:$0x3FFC];
	_ =	sdelay $0x3  }
0x9a: {  	_ =	strace s4  }
0x9b: {  	s4 =	sld [smem:$0x3FFD];
	_ =	sdelay $0x3  }
0x9c: {  	_ =	strace s4  }
0x9d: {  	_ =	strace $0x8FFFFFFF  }
0x9e: {  	s19 =	sld [smem:$0x3FDB];
	_ =	sdelay $0x1  }
0x9f: {  	s5 =	simm.s32 $_scs_section_size  }
0xa0: {  	s6 =	simm.s32 $_size__tile_overlayer_lowered;
	s7 =	simm.s32 $_tile_overlayer_lowered  }
0xa1: {  	s22 =	simm.s32 $0x1BFF;
	s21 =	sshll.u32 s7, $0x1;
	s4 =	sadd.s32 s5, s19  }
0xa2: {  	s8 =	simm.s32 $0x0;
	s20 =	sshll.u32 s6, $0x1;
	s6 =	sadd.s32 s21, s4  }
0xa3: {  	[timem:s8], [sflag:s22] =	dma.local [hbm:s6], s20  }
0xa4: {  	_ =	swait.ge [sflag:s22], s20  }
0xa5: {  	s5 =	ssub.s32 $0x0, s20;
	[sflag:s22] =	ssyncset.done $0x0  }
0xa6: {  	[sflag:s22] =	ssyncadd.s32 s5;
	_ =	sdelay $0x1  }
0xa7: {  	s23 =	simm.s32 $0x1B8B  }
0xa8: {  	_ =	swait.ge [sflag:s23], $0x1  }
0xa9: {  	[sflag:s23] =	ssyncset.done $0x0  }
0xaa: {  	s25 =	simm.s32 $0x1B8E;
	s24 =	sld [smem:$0x3FFE];
	[sflag:s23] =	ssyncadd.s32 $0xFFFFFFFF  }
0xab: {  	s26 =	simm.s32 $execute0_lowered;
	[smem:$0x3FD2] =	sst s25  }
0xac: {  	s6 =	sshll.u32 s26, $0x1;
	_ =	strace $0x80000046;
	[dreg:$0x1] =	wrdreg $0xFFFFFFFF  }
0xad: {  	s28 =	simm.s32 $_size_execute0_lowered;
	s4 =	sadd.s32 s4, s6;
	[dreg:$0x0] =	wrdreg $0x0  }
0xae: {  	s6 =	sshll.u32 s28, $0x1;
	[dreg:$0x2] =	wrdreg s4  }
0xaf: {  	[dreg:$0x3] =	wrdreg s6  }
0xb0: {  	[dreg:$0x4] =	wrdreg $0xC0  }
0xb1: {  	_ =	task [dreg:s8], $0x5FFFF  }
0xb2: {  	[dreg:$0x1] =	wrdreg $0xFFFFFFFF  }
0xb3: {  	[dreg:$0x0] =	wrdreg $0x60  }
0xb4: {  	[dreg:$0x2] =	wrdreg s16  }
0xb5: {  	[dreg:$0x3] =	wrdreg s17  }
0xb6: {  	[dreg:$0x4] =	wrdreg s24  }
0xb7: {  	[dreg:$0x5] =	wrdreg $0x80C00  }
0xb8: {  	[dreg:$0x6] =	wrdreg $0x9  }
0xb9: {  	_ =	task.clear_ibuf [dreg:s8], $0x7FFFF;
	_ =	strace $0x90000046  }
0xba: {  	s29 =	simm.s32 $0x9;
	_ =	strace $0x80000048  }
0xbb: {  	_ =	swait.ge [sflag:s29], $0x1  }
0xbc: {  	[sflag:s29] =	ssyncadd.s32 $0xFFFFFFFF  }
0xbd: {  	_ =	strace $0x90000048  }
0xbe: {  	_ =	sfence  }
0xbf: {  	s30 =	sld [smem:$0x0];
	_ =	sdelay $0x2  }
0xc0: {  	s31 =	sshll.u32 s1, $0xD;
	s1 =	sshrl.u32 s1, $0x2  }
0xc1: {  	s3 =	sand.u32 $0x4000, s31;
	s1 =	sadd.s32 s1, s30  }
0xc2: {  	s0 =	sor.u32 s3, s0;
	s1 =	sshll.u32 s1, $0x11  }
0xc3: {  	s0 =	sor.u32 s1, s0  }
0xc4: {  	s0 =	sadd.s32 $0x8F2B, s0  }
0xc5: {  	[sflag:s0] =	ssyncadd.remote.s32 $0x1  }
0xc6: {  	_ =	sfence.sel $0xFFFF  }
0xc7: {  	[dreg:$0x0] =	wrdreg $0xFFFFFFFF;
	(pc) =	sbr.abs _section_cstart, $3  }
0xc8: {  	[dreg:$0x1] =	wrdreg $0xFFFFFFFF  }
0xc9: {  	_ =	task.clear_ibuf [dreg:s8], $0x2FFFF;
	_ =	strace $0x9FFFFFFF  }
0xca: {  	(tm) =	ssettm $0x7FFFFFFF  }
0xcb: {  	_ =	shalt  }
tec
execute0_lowered:
.L_overlay_start_1:
0x0: {  	(tag) =	ssettag $0x1  }
0x1: {  	s13 =	rddreg [dreg:$0x0]  }
0x2: {  	s1 =	rddreg [dreg:$0x1]  }
0x3: {  	s14 =	rddreg [dreg:$0x2]  }
0x4: {  	s3 =	rddreg [dreg:$0x3]  }
0x5: {  	s5 =	srdreg.scid;
	s2 =	stileid.u32  }
0x6: {  	s4 =	simm.s32 $0x0;
	s19 =	simm.s32 $0xE00;
	s21 =	simm.s32 $0x53C0  }
0x7: {  	s22 =	simm.s32 $0x1;
	s23 =	simm.s32 $0x3;
	s24 =	simm.s32 $0xA0  }
0x8: {  	s25 =	simm.s32 $0x2;
	s28 =	simm.s32 $0x4;
	s26 =	smul.u32 $0x57E40, s2  }
0x9: {  	s29 =	simm.s32 $0x0;
	s12 =	sand.u32 $0x1, s5;
	s15 =	smul.u32 $0x15F90, s2  }
0xa: {  	[smem:$0x7FF] =	sst s4;
	s20 =	smul.u32 $0x4E2, s2;
	s31 =	sadd.s32 $0x9C40, s13  }
0xb: {  	s6 =	ssub.s32 $0x2, s12;
	_ =	strace $0x80000047;
	s18 =	smul.u32 $0x4E20, s12  }
0xc: {  	p0 =	seq.s32 s12, $0x1;
	s7 =	sshrl.u32 s6, $0x1;
	s8 =	sshrl.u32 s26, $0x2  }
0xd: {  	s5 =	sadd.s32 s15, s3;
	s19 =	simm.s32 @!p0 $0x2CE00;
	s15 =	sshrl.u32 s15, $0x3  }
0xe: {  	s26 =	simm.s32 $0x13B0;
	s16 =	ssub.s32 s6, s7;
	s17 =	sadd.s32 s8, s3  }
0xf: {  	s30 =	sadd.s32 s13, s18;
	s14 =	sadd.s32 s19, s14;
	s18 =	sadd.s32 s18, s31  }
0x10: {  	s19 =	simm.s32 $0x1360;
	s6 =	sadd.s32 $0x2D00, s17;
	s7 =	sadd.s32 $0x5A00, s17  }
0x11: {  	s8 =	sadd.s32 $0x8700, s17;
	s9 =	sadd.s32 $0xB400, s17;
	s10 =	sadd.s32 $0xE100, s17  }
0x12: {  	s11 =	sadd.s32 $0x10E00, s17;
	s12 =	sadd.s32 $0x13B00, s17;
	s13 =	smax.u32 s16, $0x1  }
0x13: {  	s14 =	sadd.s32 s14, s15;
	s15 =	simm.s32 $0x26C0;
	s16 =	simm.s32 $0x5  }
0x14: {  	v0 =	vimm.f32 $0.0e+00;
	s17 =	sadd.s32 s20, s30;
	s18 =	sadd.s32 s20, s18;
	s20 =	simm.s32 $0x50  }
.LBB2_1:
0x15: {  	s30 =	simm.s32 $0x80;
	s31 =	simm.s32 $0x440  }
.LBB2_2:
0x16: {  	p0 =	sne.s32 s31, $0xB3C0;
	[tilespmem:s30+$0x26C0] =	vst v0  }
0x17: {  	[tilespmem:s30+$0x2640] =	vst v0  }
0x18: {  	[tilespmem:s30+$0x2650] =	vst v0  }
0x19: {  	[tilespmem:s30+$0x2660] =	vst v0  }
.Ltmp0:
0x1a: {  	[tilespmem:s30+$0x2670] =	vst v0;
	(pc) =	sbr.rel @p0 .LBB2_2-.Ltmp0, $4  }
0x1b: {  	[tilespmem:s30+$0x2680] =	vst v0  }
0x1c: {  	[tilespmem:s30+$0x2690] =	vst v0  }
0x1d: {  	[tilespmem:s30+$0x26A0] =	vst v0  }
0x1e: {  	[tilespmem:s30+$0x26B0] =	vst v0;
	s30 =	sshra.s32 s31, $0x2;
	s31 =	sadd.s32 $0x240, s31  }
0x1f: {  	[tilespmem:s30+$0x26C0] =	vst v0  }
0x20: {  	[tilespmem:s30+$0x2640] =	vst v0  }
0x21: {  	[tilespmem:s30+$0x2650] =	vst v0  }
0x22: {  	[tilespmem:s30+$0x2660] =	vst v0  }
0x23: {  	[tilespmem:s30+$0x2670] =	vst v0  }
0x24: {  	[tilespmem:s30+$0x2680] =	vst v0  }
0x25: {  	[tilespmem:s30+$0x2690] =	vst v0  }
0x26: {  	[tilespmem:s30+$0x26A0] =	vst v0  }
0x27: {  	[tilespmem:s30+$0x26B0] =	vst v0  }
0x28: {  	[spmem:s5] =	stream.linear.scatter [tilespmem:s15], [sflag:$0x5], $0x2D00, $0x38;
	[tilespmem:$0x1E050] =	vst v63  }
0x29: {  	_ =	swait.ge [sflag:s16], $0x2D00  }
0x2a: {  	[sflag:s16] =	ssyncset.done $0x0  }
0x2b: {  	[sflag:s16] =	ssyncadd.s32 $0xFFFFD300  }
0x2c: {  	[spmem:s6] =	stream.linear.scatter [tilespmem:s15], [sflag:$0x5], $0x2D00, $0x38;
	[tilespmem:$0x1E050] =	vst v63  }
0x2d: {  	_ =	swait.ge [sflag:s16], $0x2D00  }
0x2e: {  	[sflag:s16] =	ssyncset.done $0x0  }
0x2f: {  	[sflag:s16] =	ssyncadd.s32 $0xFFFFD300  }
0x30: {  	[spmem:s7] =	stream.linear.scatter [tilespmem:s15], [sflag:$0x5], $0x2D00, $0x38;
	[tilespmem:$0x1E050] =	vst v63  }
0x31: {  	_ =	swait.ge [sflag:s16], $0x2D00  }
0x32: {  	[sflag:s16] =	ssyncset.done $0x0  }
0x33: {  	[sflag:s16] =	ssyncadd.s32 $0xFFFFD300  }
0x34: {  	[spmem:s8] =	stream.linear.scatter [tilespmem:s15], [sflag:$0x5], $0x2D00, $0x38;
	[tilespmem:$0x1E050] =	vst v63  }
0x35: {  	_ =	swait.ge [sflag:s16], $0x2D00  }
0x36: {  	[sflag:s16] =	ssyncset.done $0x0  }
0x37: {  	[sflag:s16] =	ssyncadd.s32 $0xFFFFD300  }
0x38: {  	[spmem:s9] =	stream.linear.scatter [tilespmem:s15], [sflag:$0x5], $0x2D00, $0x38;
	[tilespmem:$0x1E050] =	vst v63  }
0x39: {  	_ =	swait.ge [sflag:s16], $0x2D00  }
0x3a: {  	[sflag:s16] =	ssyncset.done $0x0  }
0x3b: {  	[sflag:s16] =	ssyncadd.s32 $0xFFFFD300  }
0x3c: {  	[spmem:s10] =	stream.linear.scatter [tilespmem:s15], [sflag:$0x5], $0x2D00, $0x38;
	[tilespmem:$0x1E050] =	vst v63  }
0x3d: {  	_ =	swait.ge [sflag:s16], $0x2D00  }
0x3e: {  	[sflag:s16] =	ssyncset.done $0x0  }
0x3f: {  	[sflag:s16] =	ssyncadd.s32 $0xFFFFD300  }
0x40: {  	[spmem:s11] =	stream.linear.scatter [tilespmem:s15], [sflag:$0x5], $0x2D00, $0x38;
	[tilespmem:$0x1E050] =	vst v63  }
0x41: {  	_ =	swait.ge [sflag:s16], $0x2D00  }
0x42: {  	[sflag:s16] =	ssyncset.done $0x0  }
0x43: {  	[sflag:s16] =	ssyncadd.s32 $0xFFFFD300  }
0x44: {  	[spmem:s12] =	stream.linear.scatter [tilespmem:s15], [sflag:$0x5], $0x2490, $0x38;
	[tilespmem:$0x1E050] =	vst v63  }
0x45: {  	_ =	swait.ge [sflag:s16], $0x2490  }
0x46: {  	[sflag:s16] =	ssyncset.done $0x0  }
0x47: {  	[sflag:s16] =	ssyncadd.s32 $0xFFFFDB70  }
0x48: {  	s30 =	simm.s32 $0x0;
	p1 =	por $0x1, $0x1;
	[bflag:$0x0] =	sbarrier.arrive $0xFFFF  }
.LBB2_4:
0x49: {  	s31 =	sadd.s32 s30, s17  }
0x4a: {  	[tilespmem:s4], [sflag:$0x5] =	stream.linear.gather [hbm4b:s31+s4], $0x1360, $0x38;
	[tilespmem:$0x1E050] =	vst v63  }
0x4b: {  	_ =	swait.ge [sflag:s16], $0x1360  }
0x4c: {  	[sflag:s16] =	ssyncset.done $0x0  }
0x4d: {  	s30 =	sadd.s32 s30, s18;
	[sflag:s16] =	ssyncadd.s32 $0xFFFFECA0  }
0x4e: {  	[tilespmem:s19], [sflag:$0x5] =	stream.linear.gather [hbm4b:s30+s4], $0x1360, $0x38;
	[tilespmem:$0x1E050] =	vst v63  }
0x4f: {  	_ =	swait.ge [sflag:s16], $0x1360  }
0x50: {  	[sflag:s16] =	ssyncset.done $0x0  }
0x51: {  	[sflag:s16] =	ssyncadd.s32 $0xFFFFECA0  }
0x52: {  	[tilespmem:s15], [sflag:$0x1] =	stream.indirect.gather [hbm4b:s1+s20], $0x90, s4, s20, $0xb8;
	[tilespmem:$0x1E050] =	vst v63  }
0x53: {  	_ = 	snop  }
0x54: {  	[tilespmem:s21], [sflag:$0x2] =	stream.indirect.gather [hbm4b:s1+s20], $0x90, s20, s20, $0xb8;
	[tilespmem:$0x1E050] =	vst v63  }
0x55: {  	_ =	swait.ge [sflag:s22], $0x2D00  }
0x56: {  	[sflag:s22] =	ssyncset.done $0x0  }
0x57: {  	[sflag:s22] =	ssyncadd.s32 $0xFFFFD300  }
0x58: {  	[spmem:s3] =	stream.indirect.scatter.add.f32 [tilespmem:s15], [sflag:$0x3], $0x90, s19, s20, $0xb8;
	[tilespmem:$0x1E050] =	vst v63  }
0x59: {  	_ =	swait.ge [sflag:s23], $0x2D00  }
0x5a: {  	[sflag:s23] =	ssyncset.done $0x0  }
0x5b: {  	[sflag:s23] =	ssyncadd.s32 $0xFFFFD300  }
0x5c: {  	[tilespmem:s15], [sflag:$0x1] =	stream.indirect.gather [hbm4b:s1+s20], $0x90, s24, s20, $0xb8;
	[tilespmem:$0x1E050] =	vst v63  }
0x5d: {  	_ =	swait.ge [sflag:s25], $0x2D00  }
0x5e: {  	[sflag:s25] =	ssyncset.done $0x0  }
0x5f: {  	[sflag:s25] =	ssyncadd.s32 $0xFFFFD300  }
0x60: {  	[spmem:s3] =	stream.indirect.scatter.add.f32 [tilespmem:s21], [sflag:$0x4], $0x90, s26, s20, $0xb8;
	[tilespmem:$0x1E050] =	vst v63  }
0x61: {  	_ =	swait.ge [sflag:s28], $0x2D00  }
0x62: {  	[sflag:s28] =	ssyncset.done $0x0  }
0x63: {  	s30 =	simm.s32 $0xF0;
	[sflag:s28] =	ssyncadd.s32 $0xFFFFD300  }
0x64: {  	[tilespmem:s21], [sflag:$0x2] =	stream.indirect.gather [hbm4b:s1+s20], $0x90, s30, s20, $0xb8;
	[tilespmem:$0x1E050] =	vst v63  }
0x65: {  	_ =	swait.ge [sflag:s22], $0x2D00  }
0x66: {  	[sflag:s22] =	ssyncset.done $0x0  }
0x67: {  	s30 =	simm.s32 $0x1400;
	[sflag:s22] =	ssyncadd.s32 $0xFFFFD300  }
0x68: {  	[spmem:s3] =	stream.indirect.scatter.add.f32 [tilespmem:s15], [sflag:$0x3], $0x90, s30, s20, $0xb8;
	[tilespmem:$0x1E050] =	vst v63  }
0x69: {  	_ =	swait.ge [sflag:s23], $0x2D00  }
0x6a: {  	[sflag:s23] =	ssyncset.done $0x0  }
0x6b: {  	s30 =	simm.s32 $0x140;
	[sflag:s23] =	ssyncadd.s32 $0xFFFFD300  }
0x6c: {  	[tilespmem:s15], [sflag:$0x1] =	stream.indirect.gather [hbm4b:s1+s20], $0x90, s30, s20, $0xb8;
	[tilespmem:$0x1E050] =	vst v63  }
0x6d: {  	_ =	swait.ge [sflag:s25], $0x2D00  }
0x6e: {  	p0 =	por p1, p1;
	[sflag:s25] =	ssyncset.done $0x0  }
0x6f: {  	s31 =	simm.s32 $0x1450;
	s30 =	simm.s32 $0xFFFFBA00;
	[sflag:s25] =	ssyncadd.s32 $0xFFFFD300  }
.LBB2_5:
0x70: {  	[spmem:s3] =	stream.indirect.scatter.add.f32 [tilespmem:s21], [sflag:$0x4], $0x90, s31, s20, $0xb8;
	[tilespmem:$0x1E050] =	vst v63  }
0x71: {  	s31 =	smov.u32 s30;
	s30 =	sadd.s32 $0x280, s30;
	_ =	swait.ge [sflag:s28], $0x2D00  }
0x72: {  	s31 =	sshra.s32 s31, $0x2;
	p1 =	sne.s32 s30, $0x0;
	[sflag:s28] =	ssyncset.done $0x0  }
0x73: {  	s0 =	sadd.s32 $0x1310, s31;
	[sflag:s28] =	ssyncadd.s32 $0xFFFFD300  }
0x74: {  	[tilespmem:s21], [sflag:$0x2] =	stream.indirect.gather [hbm4b:s1+s20], $0x90, s0, s20, $0xb8;
	[tilespmem:$0x1E050] =	vst v63  }
0x75: {  	_ =	swait.ge [sflag:s22], $0x2D00  }
0x76: {  	[sflag:s22] =	ssyncset.done $0x0  }
0x77: {  	s0 =	sadd.s32 $0x2620, s31;
	[sflag:s22] =	ssyncadd.s32 $0xFFFFD300  }
0x78: {  	[spmem:s3] =	stream.indirect.scatter.add.f32 [tilespmem:s15], [sflag:$0x3], $0x90, s0, s20, $0xb8;
	[tilespmem:$0x1E050] =	vst v63  }
0x79: {  	_ =	swait.ge [sflag:s23], $0x2D00  }
0x7a: {  	[sflag:s23] =	ssyncset.done $0x0  }
.Ltmp1:
0x7b: {  	s0 =	sadd.s32 $0x1360, s31;
	[sflag:s23] =	ssyncadd.s32 $0xFFFFD300;
	(pc) =	sbr.rel @p1 .LBB2_5-.Ltmp1, $4  }
0x7c: {  	[tilespmem:s15], [sflag:$0x1] =	stream.indirect.gather [hbm4b:s1+s20], $0x90, s0, s20, $0xb8;
	[tilespmem:$0x1E050] =	vst v63  }
0x7d: {  	_ =	swait.ge [sflag:s25], $0x2D00  }
0x7e: {  	[sflag:s25] =	ssyncset.done $0x0  }
0x7f: {  	s31 =	sadd.s32 $0x2670, s31;
	[sflag:s25] =	ssyncadd.s32 $0xFFFFD300  }
0x80: {  	[spmem:s3] =	stream.indirect.scatter.add.f32 [tilespmem:s21], [sflag:$0x4], $0x90, s31, s20, $0xb8;
	[tilespmem:$0x1E050] =	vst v63  }
0x81: {  	_ =	swait.ge [sflag:s28], $0x2D00  }
0x82: {  	s0 =	sshra.s32 s30, $0x2;
	[sflag:s28] =	ssyncset.done $0x0  }
0x83: {  	s30 =	sadd.s32 $0x1310, s0;
	[sflag:s28] =	ssyncadd.s32 $0xFFFFD300  }
0x84: {  	[tilespmem:s21], [sflag:$0x2] =	stream.indirect.gather [hbm4b:s1+s20], $0x90, s30, s20, $0xb8;
	[tilespmem:$0x1E050] =	vst v63  }
0x85: {  	_ =	swait.ge [sflag:s22], $0x2D00  }
0x86: {  	[sflag:s22] =	ssyncset.done $0x0  }
0x87: {  	s30 =	sadd.s32 $0x2620, s0;
	[sflag:s22] =	ssyncadd.s32 $0xFFFFD300  }
0x88: {  	[spmem:s3] =	stream.indirect.scatter.add.f32 [tilespmem:s15], [sflag:$0x3], $0x90, s30, s20, $0xb8;
	[tilespmem:$0x1E050] =	vst v63  }
0x89: {  	_ =	swait.ge [sflag:s23], $0x2D00  }
0x8a: {  	[sflag:s23] =	ssyncset.done $0x0  }
0x8b: {  	[sflag:s23] =	ssyncadd.s32 $0xFFFFD300  }
0x8c: {  	_ =	swait.ge [sflag:s25], $0x2D00  }
0x8d: {  	[sflag:s25] =	ssyncset.done $0x0  }
.Ltmp2:
0x8e: {  	s0 =	sadd.s32 $0x2670, s0;
	[sflag:s25] =	ssyncadd.s32 $0xFFFFD300;
	(pc) =	sbr.rel @p0 .LBB2_4-.Ltmp2, $4  }
0x8f: {  	[spmem:s3] =	stream.indirect.scatter.add.f32 [tilespmem:s21], [sflag:$0x4], $0x90, s0, s20, $0xb8;
	[tilespmem:$0x1E050] =	vst v63  }
0x90: {  	_ =	swait.ge [sflag:s28], $0x2D00  }
0x91: {  	[sflag:s28] =	ssyncset.done $0x0  }
0x92: {  	p1 =	por $0x0, $0x0;
	s30 =	simm.s32 $0x26C;
	[sflag:s28] =	ssyncadd.s32 $0xFFFFD300  }
0x93: {  	s0 =	sadd.s32 $0x4D8, s17  }
0x94: {  	[tilespmem:s4], [sflag:$0x5] =	stream.linear.gather [hbm4b:s0+s4], $0x50, $0x38;
	[tilespmem:$0x1E050] =	vst v63  }
0x95: {  	_ =	swait.ge [sflag:s16], $0x50  }
0x96: {  	[sflag:s16] =	ssyncset.done $0x0  }
0x97: {  	s30 =	sadd.s32 $0x4D8, s18;
	[sflag:s16] =	ssyncadd.s32 $0xFFFFFFB0  }
0x98: {  	[tilespmem:s19], [sflag:$0x5] =	stream.linear.gather [hbm4b:s30+s4], $0x50, $0x38;
	[tilespmem:$0x1E050] =	vst v63  }
0x99: {  	_ =	swait.ge [sflag:s16], $0x50  }
0x9a: {  	[sflag:s16] =	ssyncset.done $0x0  }
0x9b: {  	[sflag:s16] =	ssyncadd.s32 $0xFFFFFFB0  }
0x9c: {  	[tilespmem:s15], [sflag:$0x5] =	stream.indirect.gather [hbm4b:s1+s20], $0x90, s4, s20, $0xb8;
	[tilespmem:$0x1E050] =	vst v63  }
0x9d: {  	_ =	swait.ge [sflag:s16], $0x2D00  }
0x9e: {  	[sflag:s16] =	ssyncset.done $0x0  }
0x9f: {  	[sflag:s16] =	ssyncadd.s32 $0xFFFFD300  }
0xa0: {  	[spmem:s3] =	stream.indirect.scatter.add.f32 [tilespmem:s15], [sflag:$0x5], $0x90, s19, s20, $0xb8;
	[tilespmem:$0x1E050] =	vst v63  }
0xa1: {  	_ =	swait.ge [sflag:s16], $0x2D00  }
0xa2: {  	s31 =	sshll.u32 s2, $0x6;
	s29 =	sadd.s32 $0x1, s29;
	[sflag:s16] =	ssyncset.done $0x0  }
0xa3: {  	s0 =	sor.u32 $0x1C05, s31;
	p0 =	sne.s32 s29, s13;
	[sflag:s16] =	ssyncadd.s32 $0xFFFFD300  }
.Ltmp3:
0xa4: {  	s30 =	sshrl.u32 s5, $0x3;
	[bflag:$0x0] =	sbarrier.arrive $0xFFFF;
	(pc) =	sbr.rel @p0 .LBB2_1-.Ltmp3, $4  }
0xa5: {  	[hbm:s14], [sflag:s0] =	dma.local [spmem:s30], $0x2BF2  }
0xa6: {  	_ =	swait.ge [sflag:s16], $0x2BF2  }
0xa7: {  	[sflag:s16] =	ssyncset.done $0x0  }
0xa8: {  	[sflag:s16] =	ssyncadd.s32 $0xFFFFD40E  }
0xa9: {  	_ =	sfence.sel $0x180000  }
0xaa: {  	[bflag:$0x0] =	sbarrier.arrive $0xFFFF  }
0xab: {  	_ =	strace $0x90000047  }
0xac: {  	[bflag:$0x2] =	sbarrier.arrive $0xFFFF  }
0xad: {  	p0 =	sne.s32 s2, $0x0;
	s0 =	rddreg [dreg:$0x4]  }
0xae: {  	s0 =	sadd.s32 @!p0 $0x100000, s0  }
0xaf: {  	[sflag:s0] =	ssyncadd.tile.s32 @!p0 $0x1;
	_ =	shalt  }
.Lfunc_end2:
_tile_overlayer_lowered:
.L_overlay_start_2:
0xb0: {  	(tag) =	ssettag $0x2  }
0xb1: {  	s0 =	rddreg [dreg:$0x0];
	s2 =	stileid.u32  }
0xb2: {  	s1 =	rddreg [dreg:$0x1];
	p0 =	sne.s32 s2, $0x0  }
0xb3: {  	s3 =	rddreg [dreg:$0x2];
	[bflag:$0x3] =	sbarrier.arrive $0xFFFF;
	s2 =	simm.s32 @!p0 $0x1C05  }
0xb4: {  	[timem:s3], [sflag:s2] =	dma.local @!p0 [hbm:s0], s1  }
0xb5: {  	s0 =	simm.s32 @!p0 $0x5  }
0xb6: {  	_ =	swait.ge @!p0 [sflag:s0], s1  }
0xb7: {  	s1 =	ssub.s32 @!p0 $0x0, s1;
	[sflag:s0] =	ssyncset.done @!p0 $0x0  }
0xb8: {  	[sflag:s0] =	ssyncadd.s32 @!p0 s1  }
0xb9: {  	[bflag:$0x3] =	sbarrier.arrive $0xFFFF  }
0xba: {  	_ =	shalt  }

</sc_bundles>
